<compile_context>
chip_gen: v7x
topology: tpu7x:2x2x1
jax: 0.10.2.dev20260603
libtpu: 0.0.44.dev20260713+nightly
codegen_flags: <defaults>
</compile_context>

<pallas_src>
import functools
import numpy as np
import jax
import jax.numpy as jnp
from jax import lax
from jax.experimental import pallas as pl
from jax.experimental.pallas import tpu as pltpu
from jax.experimental.pallas import tpu_sc as plsc

_THR = np.arange(0.5, 0.75, 0.05).astype(np.float32)
N_PRED = 5000
N_PP = 5008
N_GT = 1000
N_GT_PAD = 1024
N_THR = len(_THR)
_BIG = 1e9
_RB = 1000


def _tc_top2(pred, gx0, gy0, gx1, gy1, v4o):
    g0x = gx0[...]
    g0y = gy0[...]
    g1x = gx1[...]
    g1y = gy1[...]
    garea = (g1x - g0x) * (g1y - g0y)
    col = lax.broadcasted_iota(jnp.int32, (_RB, N_GT_PAD), 1)

    def blk(b, _):
        r = b * _RB
        pb = pred[pl.ds(r, _RB), :]
        p0x = pb[:, 0:1]
        p0y = pb[:, 1:2]
        p1x = pb[:, 2:3]
        p1y = pb[:, 3:4]
        parea = (p1x - p0x) * (p1y - p0y)
        ltx = jnp.maximum(p0x, g0x)
        lty = jnp.maximum(p0y, g0y)
        rbx = jnp.minimum(p1x, g1x)
        rby = jnp.minimum(p1y, g1y)
        whx = jnp.maximum(rbx - ltx, 0.0)
        why = jnp.maximum(rby - lty, 0.0)
        inter = whx * why
        iou = inter / (parea + garea - inter)
        mx0 = jnp.max(iou, axis=1, keepdims=True)
        id0 = jnp.min(jnp.where(iou == mx0, col, 2 * N_GT_PAD), axis=1,
                      keepdims=True)
        m2 = jnp.where(col == id0, -1.0, iou)
        mx1 = jnp.max(m2, axis=1, keepdims=True)
        id1 = jnp.min(jnp.where(m2 == mx1, col, 2 * N_GT_PAD), axis=1,
                      keepdims=True)
        v4o[pl.ds(r, _RB), :] = jnp.concatenate(
            [mx0, mx1,
             lax.bitcast_convert_type(id0, jnp.float32),
             lax.bitcast_convert_type(id1, jnp.float32)], axis=1)
        return 0

    lax.fori_loop(0, N_PRED // _RB, blk, 0)
    v4o[pl.ds(N_PRED, 8), :] = jnp.zeros((8, 4), jnp.float32)


def _sc_greedy(v4h, predh, gth, thrh, outh,
               v4, predv, gtv, thrv, matched_v, matched_s,
               outv, accv, sem):
    c = lax.axis_index("c")
    s = lax.axis_index("s")
    is_worker = jnp.logical_and(c == 0, s < N_THR)
    lane = lax.broadcasted_iota(jnp.int32, (16,), 0)

    @pl.when(is_worker)
    def _work():
        copies = [
            pltpu.async_copy(v4h, v4, sem),
            pltpu.async_copy(predh, predv, sem),
            pltpu.async_copy(gth, gtv, sem),
            pltpu.async_copy(thrh, thrv, sem),
        ]
        for cp in copies:
            cp.wait()

        thrc = thrv[pl.ds(s * 16, 16)]
        thr = thrc[0]

        def zero_v(k, _):
            matched_v[pl.ds(k * 64, 16)] = jnp.zeros((16,), jnp.float32)
            matched_v[pl.ds(k * 64 + 16, 16)] = jnp.zeros((16,), jnp.float32)
            matched_v[pl.ds(k * 64 + 32, 16)] = jnp.zeros((16,), jnp.float32)
            matched_v[pl.ds(k * 64 + 48, 16)] = jnp.zeros((16,), jnp.float32)
            return 0

        lax.fori_loop(0, N_GT_PAD // 64, zero_v, 0)

        def zero_s(k, _):
            for u in range(8):
                matched_s[k * 8 + u] = 0
            return 0

        lax.fori_loop(0, N_GT_PAD // 8, zero_s, 0)

        def set_match(idx):
            matched_s[idx] = 1
            plsc.store_scatter(
                matched_v,
                [jnp.zeros((16,), jnp.int32) + idx],
                jnp.ones((16,), jnp.float32),
                mask=lane == 0)

        def rescan(gv):
            p0x = plsc.load_gather(predv, [gv])[0]
            p0y = plsc.load_gather(predv, [gv + 1])[0]
            p1x = plsc.load_gather(predv, [gv + 2])[0]
            p1y = plsc.load_gather(predv, [gv + 3])[0]
            parea = (p1x - p0x) * (p1y - p0y)

            def chunk(k, carry):
                bestv, besti = carry
                off = k * 16
                goff = (lane + off) * 4
                cg0x = plsc.load_gather(gtv, [goff])
                cg0y = plsc.load_gather(gtv, [goff + 1])
                cg1x = plsc.load_gather(gtv, [goff + 2])
                cg1y = plsc.load_gather(gtv, [goff + 3])
                garea = (cg1x - cg0x) * (cg1y - cg0y)
                ltx = jnp.maximum(p0x, cg0x)
                lty = jnp.maximum(p0y, cg0y)
                rbx = jnp.minimum(p1x, cg1x)
                rby = jnp.minimum(p1y, cg1y)
                whx = jnp.maximum(rbx - ltx, 0.0)
                why = jnp.maximum(rby - lty, 0.0)
                inter = whx * why
                iou = inter / (parea + garea - inter)
                mch = matched_v[pl.ds(off, 16)]
                mskd = jnp.where(mch > 0.0, -1.0, iou)
                upd = mskd > bestv
                return (jnp.where(upd, mskd, bestv),
                        jnp.where(upd, lane + off, besti))

            bestv, besti = lax.fori_loop(
                0, N_GT_PAD // 16, chunk,
                (jnp.full((16,), -2.0, jnp.float32),
                 jnp.zeros((16,), jnp.int32)))
            sv, _si = plsc.sort_key_val(bestv, besti, descending=True)
            m = sv[0]

            @pl.when(m >= thr)
            def _():
                cand = jnp.where(bestv == m, besti, 2 * N_GT_PAD)
                ci, _cv = plsc.sort_key_val(cand, cand)
                set_match(ci[0])

        def chunkrow(k, _):
            base = k * 16
            v0c = plsc.load_gather(v4, [(lane + base) * 4])
            cmask = v0c >= thr
            ncand = plsc.all_reduce_population_count(cmask)

            @pl.when(ncand[0] > 0)
            def _cands():
                def one_cand(carry):
                    mask, n = carry
                    jv = plsc.all_reduce_ffs(mask)
                    gv = (jv + base) * 4
                    idx0 = plsc.bitcast(
                        plsc.load_gather(v4, [gv + 2]), jnp.int32)[0]
                    m0 = matched_s[idx0]

                    @pl.when(m0 == 0)
                    def _():
                        set_match(idx0)

                    @pl.when(m0 != 0)
                    def _():
                        val1 = plsc.load_gather(v4, [gv + 1])[0]

                        @pl.when(val1 >= thr)
                        def _():
                            idx1 = plsc.bitcast(
                                plsc.load_gather(v4, [gv + 3]), jnp.int32)[0]
                            m1 = matched_s[idx1]

                            @pl.when(m1 == 0)
                            def _():
                                set_match(idx1)

                            @pl.when(m1 != 0)
                            def _():
                                rescan(gv)

                    return (jnp.logical_and(mask, lane != jv), n - 1)

                lax.while_loop(lambda cr: cr[1] > 0, one_cand,
                               (cmask, ncand[0]))

            return 0

        lax.fori_loop(0, N_PP // 16, chunkrow, 0)

        def acc(k, a):
            mch = matched_v[pl.ds(k * 16, 16)] > 0.0
            return a + plsc.all_reduce_population_count(mch)[0]

        tpc = lax.fori_loop(0, N_GT_PAD // 16, acc, jnp.int32(0))
        tpv = jnp.zeros((16,), jnp.float32) + tpc.astype(jnp.float32)
        outv[...] = tpv / (6000.0 - tpv)
        pltpu.sync_copy(outv, outh.at[s])

    plsc.subcore_barrier()

    @pl.when(jnp.logical_and(c == 0, s == 0))
    def _final():
        total = outv[...]
        for t in range(1, N_THR):
            pltpu.async_copy(outh.at[t], accv, sem).wait()
            total = total + accv[...]
        outv[...] = total * (1.0 / N_THR)
        pltpu.sync_copy(outv, outh.at[0])


def kernel(pred_boxes, gt_boxes):
    pad_box = jnp.tile(
        jnp.asarray([[0.0, 0.0, 1.0, 1.0]], jnp.float32), (N_PP - N_PRED, 1))
    pred_pad = jnp.concatenate([pred_boxes, pad_box], axis=0)
    gt_pad = jnp.concatenate(
        [gt_boxes, jnp.full((N_GT_PAD - N_GT, 4), _BIG, jnp.float32)], axis=0)
    tc_args = [pred_boxes]
    tc_args += [gt_pad[:, k].reshape(1, N_GT_PAD) for k in range(4)]
    v4 = pl.pallas_call(
        _tc_top2,
        out_shape=jax.ShapeDtypeStruct((N_PP, 4), jnp.float32),
    )(*tc_args)

    thr = np.full((16, 16), 2.0, np.float32)
    thr[:N_THR, :] = _THR[:, None]
    mesh = plsc.VectorSubcoreMesh(core_axis_name="c", subcore_axis_name="s")
    sck = functools.partial(
        pl.kernel,
        mesh=mesh,
        out_type=jax.ShapeDtypeStruct((8, 16), jnp.float32),
        compiler_params=pltpu.CompilerParams(needs_layout_passes=False),
        scratch_types=[
            pltpu.VMEM((N_PP * 4,), jnp.float32),
            pltpu.VMEM((N_PP * 4,), jnp.float32),
            pltpu.VMEM((N_GT_PAD * 4,), jnp.float32),
            pltpu.VMEM((16 * 16,), jnp.float32),
            pltpu.VMEM((N_GT_PAD,), jnp.float32),
            pltpu.SMEM((N_GT_PAD,), jnp.int32),
            pltpu.VMEM((16,), jnp.float32),
            pltpu.VMEM((16,), jnp.float32),
            pltpu.SemaphoreType.DMA,
        ],
    )(_sc_greedy)
    out = sck(
        v4.reshape(N_PP * 4),
        pred_pad.reshape(N_PP * 4),
        gt_pad.reshape(N_GT_PAD * 4),
        jnp.asarray(thr.reshape(16 * 16)),
    )
    return out[0, 0]

# --- scband reference (transcript-rebuilt; emitter-appended) ---
"""Pipeline reference for scband-metric-12051678232936 (READ-ONLY COPY).

The authoritative reference and input builder live on the scoring server;
editing this copy changes nothing except your own understanding.
"""

import jax, jax.numpy as jnp
import numpy as np

THRESHOLDS = np.arange(0.5, 0.75, 0.05).astype(np.float32)


def _make_boxes(key, n):
    k1, k2 = jax.random.split(key)
    cxy = jax.random.uniform(k1, (n, 2), dtype=jnp.float32) * 1000.0
    wh = jax.random.uniform(k2, (n, 2), dtype=jnp.float32) * 80.0 + 2.0
    return jnp.concatenate([cxy - 0.5 * wh, cxy + 0.5 * wh], axis=1)


def setup_inputs(seed: int = 0):
    key = jax.random.key(seed)
    ka, kb = jax.random.split(key)
    return {"pred_boxes": _make_boxes(ka, 5000), "gt_boxes": _make_boxes(kb, 1000)}


def _box_area(b):
    return (b[:, 2] - b[:, 0]) * (b[:, 3] - b[:, 1])


def _box_iou(boxes1, boxes2):
    area1 = _box_area(boxes1)
    area2 = _box_area(boxes2)
    lt = jnp.maximum(boxes1[:, None, :2], boxes2[None, :, :2])
    rb = jnp.minimum(boxes1[:, None, 2:], boxes2[None, :, 2:])
    wh = jnp.clip(rb - lt, 0.0, None)
    inter = wh[:, :, 0] * wh[:, :, 1]
    union = area1[:, None] + area2[None, :] - inter
    return inter / union


def _precision(pred_boxes, gt_boxes, threshold):
    ious = _box_iou(pred_boxes, gt_boxes)  # [N, M], all values in [0, 1]
    m = ious.shape[1]

    # Greedy sequential matching: for each prediction row (in order), find the
    # best remaining gt column; if its IoU >= threshold, mark that column as
    # taken (torch code sets the whole column to -1), else count a false pos.
    # Carrying a per-column 'matched' mask is exactly equivalent to mutating
    # the matrix, because columns are only ever overwritten with -1 and all
    # raw IoUs are >= 0.
    def step(carry, row):
        matched, fp = carry
        row = jnp.where(matched, -1.0, row)
        mx = jnp.max(row)
        idx = jnp.argmax(row)
        is_match = mx >= threshold
        matched = jnp.where(is_match, matched.at[idx].set(True), matched)
        fp = fp + jnp.where(is_match, 0.0, 1.0)
        return (matched, fp), None

    (matched, fp), _ = jax.lax.scan(
        step, (jnp.zeros((m,), dtype=bool), jnp.float32(0.0)), ious
    )

    # Reconstruct the final mutated matrix and evaluate tp/fn exactly as the
    # torch code does.
    final_ious = jnp.where(matched[None, :], -1.0, ious)
    tp = jnp.sum(jnp.min(final_ious, axis=0) == -1.0).astype(jnp.float32)
    fn = jnp.sum(jnp.max(final_ious, axis=0) > -1.0).astype(jnp.float32)
    return tp / (tp + fp + fn)


def _avg_precision(pred_boxes, gt_boxes):
    total = jnp.float32(0.0)
    for thr in THRESHOLDS:
        total = total + _precision(pred_boxes, gt_boxes, float(thr))
    return total / float(len(THRESHOLDS))


def reference(pred_boxes, gt_boxes):
    # forward over a single (output, target) pair; len(targets) == 1, so the
    # final division by len(targets) is a no-op.
    return _avg_precision(pred_boxes, gt_boxes)

if __name__ == "__main__":
    import jax
    _d = setup_inputs()
    print(jax.jit(kernel)(*tuple(_d.values())))

</pallas_src>

<mosaic_0001>
#map = affine_map<(d0, d1) -> (0)>
#map1 = affine_map<(d0, d1) -> (0, 0)>
module attributes {stable_mosaic.version = 14 : i64} {
  func.func @_sc_greedy(%arg0: i32, %arg1: i32, %arg2: memref<20032xf32, #tpu.memory_space<hbm>>, %arg3: memref<20032xf32, #tpu.memory_space<hbm>>, %arg4: memref<4096xf32, #tpu.memory_space<hbm>>, %arg5: memref<256xf32, #tpu.memory_space<hbm>>, %arg6: memref<8x16xf32, #tpu.memory_space<hbm>>, %arg7: memref<20032xf32, #tpu.memory_space<vmem>>, %arg8: memref<20032xf32, #tpu.memory_space<vmem>>, %arg9: memref<4096xf32, #tpu.memory_space<vmem>>, %arg10: memref<256xf32, #tpu.memory_space<vmem>>, %arg11: memref<1024xf32, #tpu.memory_space<vmem>>, %arg12: memref<1024xi32, #tpu.memory_space<smem>>, %arg13: memref<16xf32, #tpu.memory_space<vmem>>, %arg14: memref<16xf32, #tpu.memory_space<vmem>>, %arg15: memref<!tpu.dma_semaphore, #tpu.memory_space<semaphore_mem>>) attributes {dimension_semantics = [#tpu.dimension_semantics<core_parallel>, #tpu.dimension_semantics<subcore_parallel>], iteration_bounds = array<i64: 2, 16>, scalar_prefetch = 0 : i64, scratch_operands = 9 : i64, tpu.core_type = #tpu.core_type<sc_vector_subcore>, window_params = [{transform_indices = #map}, {transform_indices = #map}, {transform_indices = #map}, {transform_indices = #map}, {transform_indices = #map1}]} {
    %eq3A = arith.constant 0 : i32
    %eq3A_0 = arith.cmpi eq, %arg0, %eq3A : i32
    %lt3A = arith.constant 5 : i32
    %lt3A_1 = arith.cmpi slt, %arg1, %lt3A : i32
    %and3A = arith.andi %eq3A_0, %lt3A_1 : i1
    %iota3A = tpu.iota {dimensions = array<i32: 0>} : vector<16xi32>
    %convert_element_type3A = arith.extui %and3A : i1 to i32
    %cond3A = arith.constant 0 : i32
    %cond3A_2 = arith.cmpi ne, %convert_element_type3A, %cond3A : i32
    scf.if %cond3A_2 {
      tpu.enqueue_dma source(%arg2 : memref<20032xf32, #tpu.memory_space<hbm>>) target(%arg7 : memref<20032xf32, #tpu.memory_space<vmem>>) target_semaphore(%arg15 : memref<!tpu.dma_semaphore, #tpu.memory_space<semaphore_mem>>)
      tpu.enqueue_dma source(%arg3 : memref<20032xf32, #tpu.memory_space<hbm>>) target(%arg8 : memref<20032xf32, #tpu.memory_space<vmem>>) target_semaphore(%arg15 : memref<!tpu.dma_semaphore, #tpu.memory_space<semaphore_mem>>)
      tpu.enqueue_dma source(%arg4 : memref<4096xf32, #tpu.memory_space<hbm>>) target(%arg9 : memref<4096xf32, #tpu.memory_space<vmem>>) target_semaphore(%arg15 : memref<!tpu.dma_semaphore, #tpu.memory_space<semaphore_mem>>)
      tpu.enqueue_dma source(%arg5 : memref<256xf32, #tpu.memory_space<hbm>>) target(%arg10 : memref<256xf32, #tpu.memory_space<vmem>>) target_semaphore(%arg15 : memref<!tpu.dma_semaphore, #tpu.memory_space<semaphore_mem>>)
      tpu.wait_dma2 semaphore(%arg15 : memref<!tpu.dma_semaphore, #tpu.memory_space<semaphore_mem>>) src(%arg2 : memref<20032xf32, #tpu.memory_space<hbm>>) dst(%arg7 : memref<20032xf32, #tpu.memory_space<vmem>>)
      tpu.wait_dma2 semaphore(%arg15 : memref<!tpu.dma_semaphore, #tpu.memory_space<semaphore_mem>>) src(%arg3 : memref<20032xf32, #tpu.memory_space<hbm>>) dst(%arg8 : memref<20032xf32, #tpu.memory_space<vmem>>)
      tpu.wait_dma2 semaphore(%arg15 : memref<!tpu.dma_semaphore, #tpu.memory_space<semaphore_mem>>) src(%arg4 : memref<4096xf32, #tpu.memory_space<hbm>>) dst(%arg9 : memref<4096xf32, #tpu.memory_space<vmem>>)
      tpu.wait_dma2 semaphore(%arg15 : memref<!tpu.dma_semaphore, #tpu.memory_space<semaphore_mem>>) src(%arg5 : memref<256xf32, #tpu.memory_space<hbm>>) dst(%arg10 : memref<256xf32, #tpu.memory_space<vmem>>)
      %mul3A = arith.constant 16 : i32
      %mul3A_11 = arith.muli %arg1, %mul3A : i32
      %get3A = arith.index_cast %mul3A_11 : i32 to index
      %get3A_12 = tpu.vector_load %arg10[%get3A] {strides = array<i32>} : memref<256xf32, #tpu.memory_space<vmem>>, vector<16xf32>,
      %slice3A = vector.extract_strided_slice %get3A_12 {offsets = [0], sizes = [1], strides = [1]} : vector<16xf32> to vector<1xf32>
      %squeeze3A = vector.extract %slice3A[0] : f32 from vector<1xf32>
      %scan3A = arith.constant 0 : i32
      %scan3A_13 = arith.constant 0 : i32
      %scan3A_14 = arith.constant 16 : i32
      %scan3A_15 = arith.addi %scan3A_13, %scan3A_14 : i32
      %scan3A_16 = arith.constant 1 : i32
      %scan3A_17 = scf.for %scan3A_46 = %scan3A_13 to %scan3A_15 step %scan3A_16 iter_args(%scan3A_47 = %scan3A) -> (i32)  : i32 {
        %broadcast_in_dim3A_48 = arith.constant 0.000000e+00 : f32
        %broadcast_in_dim3A_49 = vector.broadcast %broadcast_in_dim3A_48 : f32 to vector<16xf32>
        %mul3A_50 = arith.constant 64 : i32
        %mul3A_51 = arith.muli %scan3A_46, %mul3A_50 : i32
        %swap3A_52 = arith.index_cast %mul3A_51 : i32 to index
        %swap3A_53 = tpu.vector_load %arg11[%swap3A_52] {strides = array<i32>} : memref<1024xf32, #tpu.memory_space<vmem>>, vector<16xf32>,
        tpu.vector_store %arg11[%swap3A_52], %broadcast_in_dim3A_49 {strides = array<i32>} : memref<1024xf32, #tpu.memory_space<vmem>>, vector<16xf32>,
        %broadcast_in_dim3A_54 = arith.constant 0.000000e+00 : f32
        %broadcast_in_dim3A_55 = vector.broadcast %broadcast_in_dim3A_54 : f32 to vector<16xf32>
        %mul3A_56 = arith.constant 64 : i32
        %mul3A_57 = arith.muli %scan3A_46, %mul3A_56 : i32
        %add3A_58 = arith.constant 16 : i32
        %add3A_59 = arith.addi %mul3A_57, %add3A_58 : i32
        %swap3A_60 = arith.index_cast %add3A_59 : i32 to index
        %swap3A_61 = tpu.vector_load %arg11[%swap3A_60] {strides = array<i32>} : memref<1024xf32, #tpu.memory_space<vmem>>, vector<16xf32>,
        tpu.vector_store %arg11[%swap3A_60], %broadcast_in_dim3A_55 {strides = array<i32>} : memref<1024xf32, #tpu.memory_space<vmem>>, vector<16xf32>,
        %broadcast_in_dim3A_62 = arith.constant 0.000000e+00 : f32
        %broadcast_in_dim3A_63 = vector.broadcast %broadcast_in_dim3A_62 : f32 to vector<16xf32>
        %mul3A_64 = arith.constant 64 : i32
        %mul3A_65 = arith.muli %scan3A_46, %mul3A_64 : i32
        %add3A_66 = arith.constant 32 : i32
        %add3A_67 = arith.addi %mul3A_65, %add3A_66 : i32
        %swap3A_68 = arith.index_cast %add3A_67 : i32 to index
        %swap3A_69 = tpu.vector_load %arg11[%swap3A_68] {strides = array<i32>} : memref<1024xf32, #tpu.memory_space<vmem>>, vector<16xf32>,
        tpu.vector_store %arg11[%swap3A_68], %broadcast_in_dim3A_63 {strides = array<i32>} : memref<1024xf32, #tpu.memory_space<vmem>>, vector<16xf32>,
        %broadcast_in_dim3A_70 = arith.constant 0.000000e+00 : f32
        %broadcast_in_dim3A_71 = vector.broadcast %broadcast_in_dim3A_70 : f32 to vector<16xf32>
        %mul3A_72 = arith.constant 64 : i32
        %mul3A_73 = arith.muli %scan3A_46, %mul3A_72 : i32
        %add3A_74 = arith.constant 48 : i32
        %add3A_75 = arith.addi %mul3A_73, %add3A_74 : i32
        %swap3A_76 = arith.index_cast %add3A_75 : i32 to index
        %swap3A_77 = tpu.vector_load %arg11[%swap3A_76] {strides = array<i32>} : memref<1024xf32, #tpu.memory_space<vmem>>, vector<16xf32>,
        tpu.vector_store %arg11[%swap3A_76], %broadcast_in_dim3A_71 {strides = array<i32>} : memref<1024xf32, #tpu.memory_space<vmem>>, vector<16xf32>,
        %scan3A_78 = arith.constant 0 : i32
        scf.yield %scan3A_78 : i32
      }
      %scan3A_18 = arith.constant 16 : i32
      %scan3A_19 = arith.constant 0 : i32
      %scan3A_20 = arith.constant 0 : i32
      %scan3A_21 = arith.constant 128 : i32
      %scan3A_22 = arith.addi %scan3A_20, %scan3A_21 : i32
      %scan3A_23 = arith.constant 1 : i32
      %scan3A_24 = scf.for %scan3A_46 = %scan3A_20 to %scan3A_22 step %scan3A_23 iter_args(%scan3A_47 = %scan3A_19) -> (i32)  : i32 {
        %mul3A_48 = arith.constant 8 : i32
        %mul3A_49 = arith.muli %scan3A_46, %mul3A_48 : i32
        %add3A_50 = arith.constant 0 : i32
        %add3A_51 = arith.addi %mul3A_49, %add3A_50 : i32
        %swap3A_52 = arith.constant 0 : i32
        %swap3A_53 = arith.index_cast %add3A_51 : i32 to index
        %swap3A_54 = memref.load %arg12[%swap3A_53] : memref<1024xi32, #tpu.memory_space<smem>>
        memref.store %swap3A_52, %arg12[%swap3A_53] : memref<1024xi32, #tpu.memory_space<smem>>
        %mul3A_55 = arith.constant 8 : i32
        %mul3A_56 = arith.muli %scan3A_46, %mul3A_55 : i32
        %add3A_57 = arith.constant 1 : i32
        %add3A_58 = arith.addi %mul3A_56, %add3A_57 : i32
        %swap3A_59 = arith.constant 0 : i32
        %swap3A_60 = arith.index_cast %add3A_58 : i32 to index
        %swap3A_61 = memref.load %arg12[%swap3A_60] : memref<1024xi32, #tpu.memory_space<smem>>
        memref.store %swap3A_59, %arg12[%swap3A_60] : memref<1024xi32, #tpu.memory_space<smem>>
        %mul3A_62 = arith.constant 8 : i32
        %mul3A_63 = arith.muli %scan3A_46, %mul3A_62 : i32
        %add3A_64 = arith.constant 2 : i32
        %add3A_65 = arith.addi %mul3A_63, %add3A_64 : i32
        %swap3A_66 = arith.constant 0 : i32
        %swap3A_67 = arith.index_cast %add3A_65 : i32 to index
        %swap3A_68 = memref.load %arg12[%swap3A_67] : memref<1024xi32, #tpu.memory_space<smem>>
        memref.store %swap3A_66, %arg12[%swap3A_67] : memref<1024xi32, #tpu.memory_space<smem>>
        %mul3A_69 = arith.constant 8 : i32
        %mul3A_70 = arith.muli %scan3A_46, %mul3A_69 : i32
        %add3A_71 = arith.constant 3 : i32
        %add3A_72 = arith.addi %mul3A_70, %add3A_71 : i32
        %swap3A_73 = arith.constant 0 : i32
        %swap3A_74 = arith.index_cast %add3A_72 : i32 to index
        %swap3A_75 = memref.load %arg12[%swap3A_74] : memref<1024xi32, #tpu.memory_space<smem>>
        memref.store %swap3A_73, %arg12[%swap3A_74] : memref<1024xi32, #tpu.memory_space<smem>>
        %mul3A_76 = arith.constant 8 : i32
        %mul3A_77 = arith.muli %scan3A_46, %mul3A_76 : i32
        %add3A_78 = arith.constant 4 : i32
        %add3A_79 = arith.addi %mul3A_77, %add3A_78 : i32
        %swap3A_80 = arith.constant 0 : i32
        %swap3A_81 = arith.index_cast %add3A_79 : i32 to index
        %swap3A_82 = memref.load %arg12[%swap3A_81] : memref<1024xi32, #tpu.memory_space<smem>>
        memref.store %swap3A_80, %arg12[%swap3A_81] : memref<1024xi32, #tpu.memory_space<smem>>
        %mul3A_83 = arith.constant 8 : i32
        %mul3A_84 = arith.muli %scan3A_46, %mul3A_83 : i32
        %add3A_85 = arith.constant 5 : i32
        %add3A_86 = arith.addi %mul3A_84, %add3A_85 : i32
        %swap3A_87 = arith.constant 0 : i32
        %swap3A_88 = arith.index_cast %add3A_86 : i32 to index
        %swap3A_89 = memref.load %arg12[%swap3A_88] : memref<1024xi32, #tpu.memory_space<smem>>
        memref.store %swap3A_87, %arg12[%swap3A_88] : memref<1024xi32, #tpu.memory_space<smem>>
        %mul3A_90 = arith.constant 8 : i32
        %mul3A_91 = arith.muli %scan3A_46, %mul3A_90 : i32
        %add3A_92 = arith.constant 6 : i32
        %add3A_93 = arith.addi %mul3A_91, %add3A_92 : i32
        %swap3A_94 = arith.constant 0 : i32
        %swap3A_95 = arith.index_cast %add3A_93 : i32 to index
        %swap3A_96 = memref.load %arg12[%swap3A_95] : memref<1024xi32, #tpu.memory_space<smem>>
        memref.store %swap3A_94, %arg12[%swap3A_95] : memref<1024xi32, #tpu.memory_space<smem>>
        %mul3A_97 = arith.constant 8 : i32
        %mul3A_98 = arith.muli %scan3A_46, %mul3A_97 : i32
        %add3A_99 = arith.constant 7 : i32
        %add3A_100 = arith.addi %mul3A_98, %add3A_99 : i32
        %swap3A_101 = arith.constant 0 : i32
        %swap3A_102 = arith.index_cast %add3A_100 : i32 to index
        %swap3A_103 = memref.load %arg12[%swap3A_102] : memref<1024xi32, #tpu.memory_space<smem>>
        memref.store %swap3A_101, %arg12[%swap3A_102] : memref<1024xi32, #tpu.memory_space<smem>>
        %scan3A_104 = arith.constant 0 : i32
        scf.yield %scan3A_104 : i32
      }
      %scan3A_25 = arith.constant 128 : i32
      %scan3A_26 = arith.constant 0 : i32
      %scan3A_27 = arith.constant 0 : i32
      %scan3A_28 = arith.constant 313 : i32
      %scan3A_29 = arith.addi %scan3A_27, %scan3A_28 : i32
      %scan3A_30 = arith.constant 1 : i32
      %scan3A_31 = scf.for %scan3A_46 = %scan3A_27 to %scan3A_29 step %scan3A_30 iter_args(%scan3A_47 = %scan3A_26) -> (i32)  : i32 {
        %mul3A_48 = arith.constant 16 : i32
        %mul3A_49 = arith.muli %scan3A_46, %mul3A_48 : i32
        %add3A_50 = vector.broadcast %mul3A_49 : i32 to vector<16xi32>
        %add3A_51 = arith.addi %iota3A, %add3A_50 : vector<16xi32>
        %mul3A_52 = arith.constant 4 : i32
        %mul3A_53 = vector.broadcast %mul3A_52 : i32 to vector<16xi32>
        %mul3A_54 = arith.muli %add3A_51, %mul3A_53 : vector<16xi32>
        %gather3A = tpu.vector_load_idx %arg7[%mul3A_54] : memref<20032xf32, #tpu.memory_space<vmem>>[vector<16xi32>], vector<16xf32>,
        %ge3A = vector.broadcast %squeeze3A : f32 to vector<16xf32>
        %ge3A_55 = arith.cmpf oge, %gather3A, %ge3A : vector<16xf32>
        %all_reduce_population_count3A = tpu.all_reduce %ge3A_55 {dim = 0 : i64, kind = #tpu.reduction_kind<sum>} : vector<16xi1> -> vector<16xi32>
        %slice3A_56 = vector.extract_strided_slice %all_reduce_population_count3A {offsets = [0], sizes = [1], strides = [1]} : vector<16xi32> to vector<1xi32>
        %squeeze3A_57 = vector.extract %slice3A_56[0] : i32 from vector<1xi32>
        %gt3A = arith.constant 0 : i32
        %gt3A_58 = arith.cmpi sgt, %squeeze3A_57, %gt3A : i32
        %convert_element_type3A_59 = arith.extui %gt3A_58 : i1 to i32
        %cond3A_60 = arith.constant 0 : i32
        %cond3A_61 = arith.cmpi ne, %convert_element_type3A_59, %cond3A_60 : i32
        scf.if %cond3A_61 {
          %slice3A_63 = vector.extract_strided_slice %all_reduce_population_count3A {offsets = [0], sizes = [1], strides = [1]} : vector<16xi32> to vector<1xi32>
          %squeeze3A_64 = vector.extract %slice3A_63[0] : i32 from vector<1xi32>
          %while3A:2 = scf.while (%while3A_65 = %ge3A_55, %while3A_66 = %squeeze3A_64) : (vector<16xi1>, i32) -> (vector<16xi1>, i32) {
            %gt3A_67 = arith.constant 0 : i32
            %gt3A_68 = arith.cmpi sgt, %while3A_66, %gt3A_67 : i32
            scf.condition(%gt3A_68) %while3A_65, %while3A_66 : vector<16xi1>, i32
          } do {
          ^bb0(%while3A_65: vector<16xi1>, %while3A_66: i32):
            %all_reduce_ffs3A = tpu.all_reduce %while3A_65 {dim = 0 : i64, kind = #tpu.reduction_kind<find_first_set>} : vector<16xi1> -> vector<16xi32>
            %add3A_67 = vector.broadcast %mul3A_49 : i32 to vector<16xi32>
            %add3A_68 = arith.addi %all_reduce_ffs3A, %add3A_67 : vector<16xi32>
            %mul3A_69 = arith.constant 4 : i32
            %mul3A_70 = vector.broadcast %mul3A_69 : i32 to vector<16xi32>
            %mul3A_71 = arith.muli %add3A_68, %mul3A_70 : vector<16xi32>
            %add3A_72 = arith.constant 2 : i32
            %add3A_73 = vector.broadcast %add3A_72 : i32 to vector<16xi32>
            %add3A_74 = arith.addi %mul3A_71, %add3A_73 : vector<16xi32>
            %gather3A_75 = tpu.vector_load_idx %arg7[%add3A_74] : memref<20032xf32, #tpu.memory_space<vmem>>[vector<16xi32>], vector<16xf32>,
            %bitcast3A = vector.bitcast %gather3A_75 : vector<16xf32> to vector<16xi32>
            %slice3A_76 = vector.extract_strided_slice %bitcast3A {offsets = [0], sizes = [1], strides = [1]} : vector<16xi32> to vector<1xi32>
            %squeeze3A_77 = vector.extract %slice3A_76[0] : i32 from vector<1xi32>
            %get3A_78 = arith.index_cast %squeeze3A_77 : i32 to index
            %get3A_79 = memref.load %arg12[%get3A_78] : memref<1024xi32, #tpu.memory_space<smem>>
            %eq3A_80 = arith.constant 0 : i32
            %eq3A_81 = arith.cmpi eq, %get3A_79, %eq3A_80 : i32
            %convert_element_type3A_82 = arith.extui %eq3A_81 : i1 to i32
            %cond3A_83 = arith.constant 0 : i32
            %cond3A_84 = arith.cmpi ne, %convert_element_type3A_82, %cond3A_83 : i32
            scf.if %cond3A_84 {
              %swap3A_93 = arith.constant 1 : i32
              %swap3A_94 = arith.index_cast %squeeze3A_77 : i32 to index
              %swap3A_95 = memref.load %arg12[%swap3A_94] : memref<1024xi32, #tpu.memory_space<smem>>
              memref.store %swap3A_93, %arg12[%swap3A_94] : memref<1024xi32, #tpu.memory_space<smem>>
              %broadcast_in_dim3A_96 = arith.constant 0 : i32
              %broadcast_in_dim3A_97 = vector.broadcast %broadcast_in_dim3A_96 : i32 to vector<16xi32>
              %add3A_98 = vector.broadcast %squeeze3A_77 : i32 to vector<16xi32>
              %add3A_99 = arith.addi %broadcast_in_dim3A_97, %add3A_98 : vector<16xi32>
              %broadcast_in_dim3A_100 = arith.constant 1.000000e+00 : f32
              %broadcast_in_dim3A_101 = vector.broadcast %broadcast_in_dim3A_100 : f32 to vector<16xf32>
              %eq3A_102 = arith.constant 0 : i32
              %eq3A_103 = vector.broadcast %eq3A_102 : i32 to vector<16xi32>
              %eq3A_104 = arith.cmpi eq, %iota3A, %eq3A_103 : vector<16xi32>
              tpu.vector_store_idx %arg11[%add3A_99], %broadcast_in_dim3A_101 masked %eq3A_104 : memref<1024xf32, #tpu.memory_space<vmem>>[vector<16xi32>], vector<16xf32>, vector<16xi1>
            } else {
            }
            %ne3A = arith.constant 0 : i32
            %ne3A_85 = arith.cmpi ne, %get3A_79, %ne3A : i32
            %convert_element_type3A_86 = arith.extui %ne3A_85 : i1 to i32
            %cond3A_87 = arith.constant 0 : i32
            %cond3A_88 = arith.cmpi ne, %convert_element_type3A_86, %cond3A_87 : i32
            scf.if %cond3A_88 {
              %add3A_93 = arith.constant 1 : i32
              %add3A_94 = vector.broadcast %add3A_93 : i32 to vector<16xi32>
              %add3A_95 = arith.addi %mul3A_71, %add3A_94 : vector<16xi32>
              %gather3A_96 = tpu.vector_load_idx %arg7[%add3A_95] : memref<20032xf32, #tpu.memory_space<vmem>>[vector<16xi32>], vector<16xf32>,
              %slice3A_97 = vector.extract_strided_slice %gather3A_96 {offsets = [0], sizes = [1], strides = [1]} : vector<16xf32> to vector<1xf32>
              %squeeze3A_98 = vector.extract %slice3A_97[0] : f32 from vector<1xf32>
              %ge3A_99 = arith.cmpf oge, %squeeze3A_98, %squeeze3A : f32
              %convert_element_type3A_100 = arith.extui %ge3A_99 : i1 to i32
              %cond3A_101 = arith.constant 0 : i32
              %cond3A_102 = arith.cmpi ne, %convert_element_type3A_100, %cond3A_101 : i32
              scf.if %cond3A_102 {
                %add3A_103 = arith.constant 3 : i32
                %add3A_104 = vector.broadcast %add3A_103 : i32 to vector<16xi32>
                %add3A_105 = arith.addi %mul3A_71, %add3A_104 : vector<16xi32>
                %gather3A_106 = tpu.vector_load_idx %arg7[%add3A_105] : memref<20032xf32, #tpu.memory_space<vmem>>[vector<16xi32>], vector<16xf32>,
                %bitcast3A_107 = vector.bitcast %gather3A_106 : vector<16xf32> to vector<16xi32>
                %slice3A_108 = vector.extract_strided_slice %bitcast3A_107 {offsets = [0], sizes = [1], strides = [1]} : vector<16xi32> to vector<1xi32>
                %squeeze3A_109 = vector.extract %slice3A_108[0] : i32 from vector<1xi32>
                %get3A_110 = arith.index_cast %squeeze3A_109 : i32 to index
                %get3A_111 = memref.load %arg12[%get3A_110] : memref<1024xi32, #tpu.memory_space<smem>>
                %eq3A_112 = arith.constant 0 : i32
                %eq3A_113 = arith.cmpi eq, %get3A_111, %eq3A_112 : i32
                %convert_element_type3A_114 = arith.extui %eq3A_113 : i1 to i32
                %cond3A_115 = arith.constant 0 : i32
                %cond3A_116 = arith.cmpi ne, %convert_element_type3A_114, %cond3A_115 : i32
                scf.if %cond3A_116 {
                  %swap3A_122 = arith.constant 1 : i32
                  %swap3A_123 = arith.index_cast %squeeze3A_109 : i32 to index
                  %swap3A_124 = memref.load %arg12[%swap3A_123] : memref<1024xi32, #tpu.memory_space<smem>>
                  memref.store %swap3A_122, %arg12[%swap3A_123] : memref<1024xi32, #tpu.memory_space<smem>>
                  %broadcast_in_dim3A_125 = arith.constant 0 : i32
                  %broadcast_in_dim3A_126 = vector.broadcast %broadcast_in_dim3A_125 : i32 to vector<16xi32>
                  %add3A_127 = vector.broadcast %squeeze3A_109 : i32 to vector<16xi32>
                  %add3A_128 = arith.addi %broadcast_in_dim3A_126, %add3A_127 : vector<16xi32>
                  %broadcast_in_dim3A_129 = arith.constant 1.000000e+00 : f32
                  %broadcast_in_dim3A_130 = vector.broadcast %broadcast_in_dim3A_129 : f32 to vector<16xf32>
                  %eq3A_131 = arith.constant 0 : i32
                  %eq3A_132 = vector.broadcast %eq3A_131 : i32 to vector<16xi32>
                  %eq3A_133 = arith.cmpi eq, %iota3A, %eq3A_132 : vector<16xi32>
                  tpu.vector_store_idx %arg11[%add3A_128], %broadcast_in_dim3A_130 masked %eq3A_133 : memref<1024xf32, #tpu.memory_space<vmem>>[vector<16xi32>], vector<16xf32>, vector<16xi1>
                } else {
                }
                %ne3A_117 = arith.constant 0 : i32
                %ne3A_118 = arith.cmpi ne, %get3A_111, %ne3A_117 : i32
                %convert_element_type3A_119 = arith.extui %ne3A_118 : i1 to i32
                %cond3A_120 = arith.constant 0 : i32
                %cond3A_121 = arith.cmpi ne, %convert_element_type3A_119, %cond3A_120 : i32
                scf.if %cond3A_121 {
                  %gather3A_122 = tpu.vector_load_idx %arg8[%mul3A_71] : memref<20032xf32, #tpu.memory_space<vmem>>[vector<16xi32>], vector<16xf32>,
                  %slice3A_123 = vector.extract_strided_slice %gather3A_122 {offsets = [0], sizes = [1], strides = [1]} : vector<16xf32> to vector<1xf32>
                  %squeeze3A_124 = vector.extract %slice3A_123[0] : f32 from vector<1xf32>
                  %add3A_125 = arith.constant 1 : i32
                  %add3A_126 = vector.broadcast %add3A_125 : i32 to vector<16xi32>
                  %add3A_127 = arith.addi %mul3A_71, %add3A_126 : vector<16xi32>
                  %gather3A_128 = tpu.vector_load_idx %arg8[%add3A_127] : memref<20032xf32, #tpu.memory_space<vmem>>[vector<16xi32>], vector<16xf32>,
                  %slice3A_129 = vector.extract_strided_slice %gather3A_128 {offsets = [0], sizes = [1], strides = [1]} : vector<16xf32> to vector<1xf32>
                  %squeeze3A_130 = vector.extract %slice3A_129[0] : f32 from vector<1xf32>
                  %add3A_131 = arith.constant 2 : i32
                  %add3A_132 = vector.broadcast %add3A_131 : i32 to vector<16xi32>
                  %add3A_133 = arith.addi %mul3A_71, %add3A_132 : vector<16xi32>
                  %gather3A_134 = tpu.vector_load_idx %arg8[%add3A_133] : memref<20032xf32, #tpu.memory_space<vmem>>[vector<16xi32>], vector<16xf32>,
                  %slice3A_135 = vector.extract_strided_slice %gather3A_134 {offsets = [0], sizes = [1], strides = [1]} : vector<16xf32> to vector<1xf32>
                  %squeeze3A_136 = vector.extract %slice3A_135[0] : f32 from vector<1xf32>
                  %add3A_137 = arith.constant 3 : i32
                  %add3A_138 = vector.broadcast %add3A_137 : i32 to vector<16xi32>
                  %add3A_139 = arith.addi %mul3A_71, %add3A_138 : vector<16xi32>
                  %gather3A_140 = tpu.vector_load_idx %arg8[%add3A_139] : memref<20032xf32, #tpu.memory_space<vmem>>[vector<16xi32>], vector<16xf32>,
                  %slice3A_141 = vector.extract_strided_slice %gather3A_140 {offsets = [0], sizes = [1], strides = [1]} : vector<16xf32> to vector<1xf32>
                  %squeeze3A_142 = vector.extract %slice3A_141[0] : f32 from vector<1xf32>
                  %sub3A_143 = arith.subf %squeeze3A_136, %squeeze3A_124 : f32
                  %sub3A_144 = arith.subf %squeeze3A_142, %squeeze3A_130 : f32
                  %mul3A_145 = arith.mulf %sub3A_143, %sub3A_144 : f32
                  %broadcast_in_dim3A_146 = arith.constant -2.000000e+00 : f32
                  %broadcast_in_dim3A_147 = vector.broadcast %broadcast_in_dim3A_146 : f32 to vector<16xf32>
                  %broadcast_in_dim3A_148 = arith.constant 0 : i32
                  %broadcast_in_dim3A_149 = vector.broadcast %broadcast_in_dim3A_148 : i32 to vector<16xi32>
                  %scan3A_150 = arith.constant 0 : i32
                  %scan3A_151 = arith.constant 64 : i32
                  %scan3A_152 = arith.addi %scan3A_150, %scan3A_151 : i32
                  %scan3A_153 = arith.constant 1 : i32
                  %scan3A_154:2 = scf.for %scan3A_165 = %scan3A_150 to %scan3A_152 step %scan3A_153 iter_args(%scan3A_166 = %broadcast_in_dim3A_147, %scan3A_167 = %broadcast_in_dim3A_149) -> (vector<16xf32>, vector<16xi32>)  : i32 {
                    %mul3A_168 = arith.constant 16 : i32
                    %mul3A_169 = arith.muli %scan3A_165, %mul3A_168 : i32
                    %add3A_170 = vector.broadcast %mul3A_169 : i32 to vector<16xi32>
                    %add3A_171 = arith.addi %iota3A, %add3A_170 : vector<16xi32>
                    %mul3A_172 = arith.constant 4 : i32
                    %mul3A_173 = vector.broadcast %mul3A_172 : i32 to vector<16xi32>
                    %mul3A_174 = arith.muli %add3A_171, %mul3A_173 : vector<16xi32>
                    %gather3A_175 = tpu.vector_load_idx %arg9[%mul3A_174] : memref<4096xf32, #tpu.memory_space<vmem>>[vector<16xi32>], vector<16xf32>,
                    %add3A_176 = arith.constant 1 : i32
                    %add3A_177 = vector.broadcast %add3A_176 : i32 to vector<16xi32>
                    %add3A_178 = arith.addi %mul3A_174, %add3A_177 : vector<16xi32>
                    %gather3A_179 = tpu.vector_load_idx %arg9[%add3A_178] : memref<4096xf32, #tpu.memory_space<vmem>>[vector<16xi32>], vector<16xf32>,
                    %add3A_180 = arith.constant 2 : i32
                    %add3A_181 = vector.broadcast %add3A_180 : i32 to vector<16xi32>
                    %add3A_182 = arith.addi %mul3A_174, %add3A_181 : vector<16xi32>
                    %gather3A_183 = tpu.vector_load_idx %arg9[%add3A_182] : memref<4096xf32, #tpu.memory_space<vmem>>[vector<16xi32>], vector<16xf32>,
                    %add3A_184 = arith.constant 3 : i32
                    %add3A_185 = vector.broadcast %add3A_184 : i32 to vector<16xi32>
                    %add3A_186 = arith.addi %mul3A_174, %add3A_185 : vector<16xi32>
                    %gather3A_187 = tpu.vector_load_idx %arg9[%add3A_186] : memref<4096xf32, #tpu.memory_space<vmem>>[vector<16xi32>], vector<16xf32>,
                    %sub3A_188 = arith.subf %gather3A_183, %gather3A_175 : vector<16xf32>
                    %sub3A_189 = arith.subf %gather3A_187, %gather3A_179 : vector<16xf32>
                    %mul3A_190 = arith.mulf %sub3A_188, %sub3A_189 : vector<16xf32>
                    %max3A = vector.broadcast %squeeze3A_124 : f32 to vector<16xf32>
                    %max3A_191 = arith.maximumf %max3A, %gather3A_175 : vector<16xf32>
                    %max3A_192 = vector.broadcast %squeeze3A_130 : f32 to vector<16xf32>
                    %max3A_193 = arith.maximumf %max3A_192, %gather3A_179 : vector<16xf32>
                    %min3A = vector.broadcast %squeeze3A_136 : f32 to vector<16xf32>
                    %min3A_194 = arith.minimumf %min3A, %gather3A_183 : vector<16xf32>
                    %min3A_195 = vector.broadcast %squeeze3A_142 : f32 to vector<16xf32>
                    %min3A_196 = arith.minimumf %min3A_195, %gather3A_187 : vector<16xf32>
                    %sub3A_197 = arith.subf %min3A_194, %max3A_191 : vector<16xf32>
                    %max3A_198 = arith.constant 0.000000e+00 : f32
                    %max3A_199 = vector.broadcast %max3A_198 : f32 to vector<16xf32>
                    %max3A_200 = arith.maximumf %sub3A_197, %max3A_199 : vector<16xf32>
                    %sub3A_201 = arith.subf %min3A_196, %max3A_193 : vector<16xf32>
                    %max3A_202 = arith.constant 0.000000e+00 : f32
                    %max3A_203 = vector.broadcast %max3A_202 : f32 to vector<16xf32>
                    %max3A_204 = arith.maximumf %sub3A_201, %max3A_203 : vector<16xf32>
                    %mul3A_205 = arith.mulf %max3A_200, %max3A_204 : vector<16xf32>
                    %add3A_206 = vector.broadcast %mul3A_145 : f32 to vector<16xf32>
                    %add3A_207 = arith.addf %add3A_206, %mul3A_190 : vector<16xf32>
                    %sub3A_208 = arith.subf %add3A_207, %mul3A_205 : vector<16xf32>
                    %div3A_209 = arith.divf %mul3A_205, %sub3A_208 : vector<16xf32>
                    %get3A_210 = arith.index_cast %mul3A_169 : i32 to index
                    %get3A_211 = tpu.vector_load %arg11[%get3A_210] {strides = array<i32>} : memref<1024xf32, #tpu.memory_space<vmem>>, vector<16xf32>,
                    %gt3A_212 = arith.constant 0.000000e+00 : f32
                    %gt3A_213 = vector.broadcast %gt3A_212 : f32 to vector<16xf32>
                    %gt3A_214 = arith.cmpf ogt, %get3A_211, %gt3A_213 : vector<16xf32>
                    %jit3A = arith.constant -1.000000e+00 : f32
                    %broadcast_in_dim3A_215 = vector.broadcast %jit3A : f32 to vector<16xf32>
                    %select_n3A = arith.select %gt3A_214, %broadcast_in_dim3A_215, %div3A_209 : vector<16xi1>, vector<16xf32>
                    %gt3A_216 = arith.cmpf ogt, %select_n3A, %scan3A_166 : vector<16xf32>
                    %select_n3A_217 = arith.select %gt3A_216, %select_n3A, %scan3A_166 : vector<16xi1>, vector<16xf32>
                    %add3A_218 = vector.broadcast %mul3A_169 : i32 to vector<16xi32>
                    %add3A_219 = arith.addi %iota3A, %add3A_218 : vector<16xi32>
                    %select_n3A_220 = arith.select %gt3A_216, %add3A_219, %scan3A_167 : vector<16xi1>, vector<16xi32>
                    scf.yield %select_n3A_217, %select_n3A_220 : vector<16xf32>, vector<16xi32>
                  }
                  %scan3A_155 = arith.constant 64 : i32
                  %masked_sort3A = arith.constant dense<true> : vector<16xi1>
                  %masked_sort3A_156, %masked_sort3A_157, %masked_sort3A_158 = tpu.sort %scan3A_154#0, %scan3A_154#1 masked %masked_sort3A {descending = true} : (vector<16xf32>, vector<16xi32>, vector<16xi1>) -> (vector<16xi1>, vector<16xf32>, vector<16xi32>)
                  %slice3A_159 = vector.extract_strided_slice %masked_sort3A_157 {offsets = [0], sizes = [1], strides = [1]} : vector<16xf32> to vector<1xf32>
                  %squeeze3A_160 = vector.extract %slice3A_159[0] : f32 from vector<1xf32>
                  %ge3A_161 = arith.cmpf oge, %squeeze3A_160, %squeeze3A : f32
                  %convert_element_type3A_162 = arith.extui %ge3A_161 : i1 to i32
                  %cond3A_163 = arith.constant 0 : i32
                  %cond3A_164 = arith.cmpi ne, %convert_element_type3A_162, %cond3A_163 : i32
                  scf.if %cond3A_164 {
                    %eq3A_165 = vector.broadcast %squeeze3A_160 : f32 to vector<16xf32>
                    %eq3A_166 = arith.cmpf oeq, %scan3A_154#0, %eq3A_165 : vector<16xf32>
                    %jit3A = arith.constant 2048 : i32
                    %broadcast_in_dim3A_167 = vector.broadcast %jit3A : i32 to vector<16xi32>
                    %select_n3A = arith.select %eq3A_166, %scan3A_154#1, %broadcast_in_dim3A_167 : vector<16xi1>, vector<16xi32>
                    %masked_sort3A_168 = arith.constant dense<true> : vector<16xi1>
                    %masked_sort3A_169 = arith.constant -2147483648 : i32
                    %masked_sort3A_170 = vector.broadcast %masked_sort3A_169 : i32 to vector<16xi32>
                    %masked_sort3A_171 = arith.xori %select_n3A, %masked_sort3A_170 : vector<16xi32>
                    %masked_sort3A_172, %masked_sort3A_173, %masked_sort3A_174 = tpu.sort %masked_sort3A_171, %select_n3A masked %masked_sort3A_168 : (vector<16xi32>, vector<16xi32>, vector<16xi1>) -> (vector<16xi1>, vector<16xi32>, vector<16xi32>)
                    %masked_sort3A_175 = arith.xori %masked_sort3A_173, %masked_sort3A_170 : vector<16xi32>
                    %slice3A_176 = vector.extract_strided_slice %masked_sort3A_175 {offsets = [0], sizes = [1], strides = [1]} : vector<16xi32> to vector<1xi32>
                    %squeeze3A_177 = vector.extract %slice3A_176[0] : i32 from vector<1xi32>
                    %swap3A_178 = arith.constant 1 : i32
                    %swap3A_179 = arith.index_cast %squeeze3A_177 : i32 to index
                    %swap3A_180 = memref.load %arg12[%swap3A_179] : memref<1024xi32, #tpu.memory_space<smem>>
                    memref.store %swap3A_178, %arg12[%swap3A_179] : memref<1024xi32, #tpu.memory_space<smem>>
                    %broadcast_in_dim3A_181 = arith.constant 0 : i32
                    %broadcast_in_dim3A_182 = vector.broadcast %broadcast_in_dim3A_181 : i32 to vector<16xi32>
                    %add3A_183 = vector.broadcast %squeeze3A_177 : i32 to vector<16xi32>
                    %add3A_184 = arith.addi %broadcast_in_dim3A_182, %add3A_183 : vector<16xi32>
                    %broadcast_in_dim3A_185 = arith.constant 1.000000e+00 : f32
                    %broadcast_in_dim3A_186 = vector.broadcast %broadcast_in_dim3A_185 : f32 to vector<16xf32>
                    %eq3A_187 = arith.constant 0 : i32
                    %eq3A_188 = vector.broadcast %eq3A_187 : i32 to vector<16xi32>
                    %eq3A_189 = arith.cmpi eq, %iota3A, %eq3A_188 : vector<16xi32>
                    tpu.vector_store_idx %arg11[%add3A_184], %broadcast_in_dim3A_186 masked %eq3A_189 : memref<1024xf32, #tpu.memory_space<vmem>>[vector<16xi32>], vector<16xf32>, vector<16xi1>
                  } else {
                  }
                } else {
                }
              } else {
              }
            } else {
            }
            %ne3A_89 = arith.cmpi ne, %iota3A, %all_reduce_ffs3A : vector<16xi32>
            %and3A_90 = arith.andi %while3A_65, %ne3A_89 : vector<16xi1>
            %sub3A_91 = arith.constant 1 : i32
            %sub3A_92 = arith.subi %while3A_66, %sub3A_91 : i32
            scf.yield %and3A_90, %sub3A_92 : vector<16xi1>, i32
          }
        } else {
        }
        %scan3A_62 = arith.constant 0 : i32
        scf.yield %scan3A_62 : i32
      }
      %scan3A_32 = arith.constant 313 : i32
      %scan3A_33 = arith.constant 0 : i32
      %scan3A_34 = arith.constant 0 : i32
      %scan3A_35 = arith.constant 64 : i32
      %scan3A_36 = arith.addi %scan3A_34, %scan3A_35 : i32
      %scan3A_37 = arith.constant 1 : i32
      %scan3A_38 = scf.for %scan3A_46 = %scan3A_34 to %scan3A_36 step %scan3A_37 iter_args(%scan3A_47 = %scan3A_33) -> (i32)  : i32 {
        %mul3A_48 = arith.constant 16 : i32
        %mul3A_49 = arith.muli %scan3A_46, %mul3A_48 : i32
        %get3A_50 = arith.index_cast %mul3A_49 : i32 to index
        %get3A_51 = tpu.vector_load %arg11[%get3A_50] {strides = array<i32>} : memref<1024xf32, #tpu.memory_space<vmem>>, vector<16xf32>,
        %gt3A = arith.constant 0.000000e+00 : f32
        %gt3A_52 = vector.broadcast %gt3A : f32 to vector<16xf32>
        %gt3A_53 = arith.cmpf ogt, %get3A_51, %gt3A_52 : vector<16xf32>
        %all_reduce_population_count3A = tpu.all_reduce %gt3A_53 {dim = 0 : i64, kind = #tpu.reduction_kind<sum>} : vector<16xi1> -> vector<16xi32>
        %slice3A_54 = vector.extract_strided_slice %all_reduce_population_count3A {offsets = [0], sizes = [1], strides = [1]} : vector<16xi32> to vector<1xi32>
        %squeeze3A_55 = vector.extract %slice3A_54[0] : i32 from vector<1xi32>
        %add3A_56 = arith.addi %scan3A_47, %squeeze3A_55 : i32
        scf.yield %add3A_56 : i32
      }
      %scan3A_39 = arith.constant 64 : i32
      %broadcast_in_dim3A = arith.constant 0.000000e+00 : f32
      %broadcast_in_dim3A_40 = vector.broadcast %broadcast_in_dim3A : f32 to vector<16xf32>
      %convert_element_type3A_41 = arith.sitofp %scan3A_38 : i32 to f32
      %add3A = vector.broadcast %convert_element_type3A_41 : f32 to vector<16xf32>
      %add3A_42 = arith.addf %broadcast_in_dim3A_40, %add3A : vector<16xf32>
      %sub3A = arith.constant 6.000000e+03 : f32
      %sub3A_43 = vector.broadcast %sub3A : f32 to vector<16xf32>
      %sub3A_44 = arith.subf %sub3A_43, %add3A_42 : vector<16xf32>
      %div3A = arith.divf %add3A_42, %sub3A_44 : vector<16xf32>
      %swap3A = arith.constant 0 : index
      %swap3A_45 = tpu.vector_load %arg13[%swap3A] {strides = array<i32>} : memref<16xf32, #tpu.memory_space<vmem>>, vector<16xf32>,
      tpu.vector_store %arg13[%swap3A], %div3A {strides = array<i32>} : memref<16xf32, #tpu.memory_space<vmem>>, vector<16xf32>,
      "tpu.region"() ({
        %run_scoped3A = tpu.sem_alloc : memref<!tpu.dma_semaphore, #tpu.memory_space<semaphore_mem>>
        %dma_start3A = arith.constant 0 : i32
        %dma_start3A_46 = tpu.memref_slice %arg6[%arg1, %dma_start3A] : memref<8x16xf32, #tpu.memory_space<hbm>> -> memref<1x16xf32, #tpu.memory_space<hbm>>
        %dma_start3A_47 = tpu.memref_squeeze %dma_start3A_46 : memref<1x16xf32, #tpu.memory_space<hbm>> -> memref<16xf32, #tpu.memory_space<hbm>>
        %dma_start3A_48 = arith.constant 0 : i32
        %dma_start3A_49 = tpu.memref_slice %arg6[%arg1, %dma_start3A_48] : memref<8x16xf32, #tpu.memory_space<hbm>> -> memref<1x16xf32, #tpu.memory_space<hbm>>
        %dma_start3A_50 = tpu.memref_squeeze %dma_start3A_49 : memref<1x16xf32, #tpu.memory_space<hbm>> -> memref<16xf32, #tpu.memory_space<hbm>>
        tpu.enqueue_dma source(%arg13 : memref<16xf32, #tpu.memory_space<vmem>>) target(%dma_start3A_50 : memref<16xf32, #tpu.memory_space<hbm>>) target_semaphore(%run_scoped3A : memref<!tpu.dma_semaphore, #tpu.memory_space<semaphore_mem>>)
        %dma_wait3A = arith.constant 0 : i32
        %dma_wait3A_51 = tpu.memref_slice %arg6[%arg1, %dma_wait3A] : memref<8x16xf32, #tpu.memory_space<hbm>> -> memref<1x16xf32, #tpu.memory_space<hbm>>
        %dma_wait3A_52 = tpu.memref_squeeze %dma_wait3A_51 : memref<1x16xf32, #tpu.memory_space<hbm>> -> memref<16xf32, #tpu.memory_space<hbm>>
        %dma_wait3A_53 = arith.constant 0 : i32
        %dma_wait3A_54 = tpu.memref_slice %arg6[%arg1, %dma_wait3A_53] : memref<8x16xf32, #tpu.memory_space<hbm>> -> memref<1x16xf32, #tpu.memory_space<hbm>>
        %dma_wait3A_55 = tpu.memref_squeeze %dma_wait3A_54 : memref<1x16xf32, #tpu.memory_space<hbm>> -> memref<16xf32, #tpu.memory_space<hbm>>
        tpu.wait_dma2 semaphore(%run_scoped3A : memref<!tpu.dma_semaphore, #tpu.memory_space<semaphore_mem>>) src(%arg13 : memref<16xf32, #tpu.memory_space<vmem>>) dst(%dma_wait3A_55 : memref<16xf32, #tpu.memory_space<hbm>>)
        tpu.yield
      }) : () -> ()
    } else {
    }
    %barrier3A = arith.constant 0 : index
    tpu.barrier barrier_id(%barrier3A)
    %eq3A_3 = arith.constant 0 : i32
    %eq3A_4 = arith.cmpi eq, %arg0, %eq3A_3 : i32
    %eq3A_5 = arith.constant 0 : i32
    %eq3A_6 = arith.cmpi eq, %arg1, %eq3A_5 : i32
    %and3A_7 = arith.andi %eq3A_4, %eq3A_6 : i1
    %convert_element_type3A_8 = arith.extui %and3A_7 : i1 to i32
    %cond3A_9 = arith.constant 0 : i32
    %cond3A_10 = arith.cmpi ne, %convert_element_type3A_8, %cond3A_9 : i32
    scf.if %cond3A_10 {
      %get3A = arith.constant 0 : index
      %get3A_11 = tpu.vector_load %arg13[%get3A] {strides = array<i32>} : memref<16xf32, #tpu.memory_space<vmem>>, vector<16xf32>,
      %dma_start3A = arith.constant 1 : i32
      %dma_start3A_12 = arith.constant 0 : i32
      %dma_start3A_13 = tpu.memref_slice %arg6[%dma_start3A, %dma_start3A_12] : memref<8x16xf32, #tpu.memory_space<hbm>> -> memref<1x16xf32, #tpu.memory_space<hbm>>
      %dma_start3A_14 = tpu.memref_squeeze %dma_start3A_13 : memref<1x16xf32, #tpu.memory_space<hbm>> -> memref<16xf32, #tpu.memory_space<hbm>>
      %dma_start3A_15 = arith.constant 0 : i32
      %dma_start3A_16 = tpu.memref_slice %arg6[%dma_start3A, %dma_start3A_15] : memref<8x16xf32, #tpu.memory_space<hbm>> -> memref<1x16xf32, #tpu.memory_space<hbm>>
      %dma_start3A_17 = tpu.memref_squeeze %dma_start3A_16 : memref<1x16xf32, #tpu.memory_space<hbm>> -> memref<16xf32, #tpu.memory_space<hbm>>
      tpu.enqueue_dma source(%dma_start3A_17 : memref<16xf32, #tpu.memory_space<hbm>>) target(%arg14 : memref<16xf32, #tpu.memory_space<vmem>>) target_semaphore(%arg15 : memref<!tpu.dma_semaphore, #tpu.memory_space<semaphore_mem>>)
      %dma_wait3A = arith.constant 1 : i32
      %dma_wait3A_18 = arith.constant 0 : i32
      %dma_wait3A_19 = tpu.memref_slice %arg6[%dma_wait3A, %dma_wait3A_18] : memref<8x16xf32, #tpu.memory_space<hbm>> -> memref<1x16xf32, #tpu.memory_space<hbm>>
      %dma_wait3A_20 = tpu.memref_squeeze %dma_wait3A_19 : memref<1x16xf32, #tpu.memory_space<hbm>> -> memref<16xf32, #tpu.memory_space<hbm>>
      %dma_wait3A_21 = arith.constant 0 : i32
      %dma_wait3A_22 = tpu.memref_slice %arg6[%dma_wait3A, %dma_wait3A_21] : memref<8x16xf32, #tpu.memory_space<hbm>> -> memref<1x16xf32, #tpu.memory_space<hbm>>
      %dma_wait3A_23 = tpu.memref_squeeze %dma_wait3A_22 : memref<1x16xf32, #tpu.memory_space<hbm>> -> memref<16xf32, #tpu.memory_space<hbm>>
      tpu.wait_dma2 semaphore(%arg15 : memref<!tpu.dma_semaphore, #tpu.memory_space<semaphore_mem>>) src(%dma_wait3A_23 : memref<16xf32, #tpu.memory_space<hbm>>) dst(%arg14 : memref<16xf32, #tpu.memory_space<vmem>>)
      %get3A_24 = arith.constant 0 : index
      %get3A_25 = tpu.vector_load %arg14[%get3A_24] {strides = array<i32>} : memref<16xf32, #tpu.memory_space<vmem>>, vector<16xf32>,
      %add3A = arith.addf %get3A_11, %get3A_25 : vector<16xf32>
      %dma_start3A_26 = arith.constant 2 : i32
      %dma_start3A_27 = arith.constant 0 : i32
      %dma_start3A_28 = tpu.memref_slice %arg6[%dma_start3A_26, %dma_start3A_27] : memref<8x16xf32, #tpu.memory_space<hbm>> -> memref<1x16xf32, #tpu.memory_space<hbm>>
      %dma_start3A_29 = tpu.memref_squeeze %dma_start3A_28 : memref<1x16xf32, #tpu.memory_space<hbm>> -> memref<16xf32, #tpu.memory_space<hbm>>
      %dma_start3A_30 = arith.constant 0 : i32
      %dma_start3A_31 = tpu.memref_slice %arg6[%dma_start3A_26, %dma_start3A_30] : memref<8x16xf32, #tpu.memory_space<hbm>> -> memref<1x16xf32, #tpu.memory_space<hbm>>
      %dma_start3A_32 = tpu.memref_squeeze %dma_start3A_31 : memref<1x16xf32, #tpu.memory_space<hbm>> -> memref<16xf32, #tpu.memory_space<hbm>>
      tpu.enqueue_dma source(%dma_start3A_32 : memref<16xf32, #tpu.memory_space<hbm>>) target(%arg14 : memref<16xf32, #tpu.memory_space<vmem>>) target_semaphore(%arg15 : memref<!tpu.dma_semaphore, #tpu.memory_space<semaphore_mem>>)
      %dma_wait3A_33 = arith.constant 2 : i32
      %dma_wait3A_34 = arith.constant 0 : i32
      %dma_wait3A_35 = tpu.memref_slice %arg6[%dma_wait3A_33, %dma_wait3A_34] : memref<8x16xf32, #tpu.memory_space<hbm>> -> memref<1x16xf32, #tpu.memory_space<hbm>>
      %dma_wait3A_36 = tpu.memref_squeeze %dma_wait3A_35 : memref<1x16xf32, #tpu.memory_space<hbm>> -> memref<16xf32, #tpu.memory_space<hbm>>
      %dma_wait3A_37 = arith.constant 0 : i32
      %dma_wait3A_38 = tpu.memref_slice %arg6[%dma_wait3A_33, %dma_wait3A_37] : memref<8x16xf32, #tpu.memory_space<hbm>> -> memref<1x16xf32, #tpu.memory_space<hbm>>
      %dma_wait3A_39 = tpu.memref_squeeze %dma_wait3A_38 : memref<1x16xf32, #tpu.memory_space<hbm>> -> memref<16xf32, #tpu.memory_space<hbm>>
      tpu.wait_dma2 semaphore(%arg15 : memref<!tpu.dma_semaphore, #tpu.memory_space<semaphore_mem>>) src(%dma_wait3A_39 : memref<16xf32, #tpu.memory_space<hbm>>) dst(%arg14 : memref<16xf32, #tpu.memory_space<vmem>>)
      %get3A_40 = arith.constant 0 : index
      %get3A_41 = tpu.vector_load %arg14[%get3A_40] {strides = array<i32>} : memref<16xf32, #tpu.memory_space<vmem>>, vector<16xf32>,
      %add3A_42 = arith.addf %add3A, %get3A_41 : vector<16xf32>
      %dma_start3A_43 = arith.constant 3 : i32
      %dma_start3A_44 = arith.constant 0 : i32
      %dma_start3A_45 = tpu.memref_slice %arg6[%dma_start3A_43, %dma_start3A_44] : memref<8x16xf32, #tpu.memory_space<hbm>> -> memref<1x16xf32, #tpu.memory_space<hbm>>
      %dma_start3A_46 = tpu.memref_squeeze %dma_start3A_45 : memref<1x16xf32, #tpu.memory_space<hbm>> -> memref<16xf32, #tpu.memory_space<hbm>>
      %dma_start3A_47 = arith.constant 0 : i32
      %dma_start3A_48 = tpu.memref_slice %arg6[%dma_start3A_43, %dma_start3A_47] : memref<8x16xf32, #tpu.memory_space<hbm>> -> memref<1x16xf32, #tpu.memory_space<hbm>>
      %dma_start3A_49 = tpu.memref_squeeze %dma_start3A_48 : memref<1x16xf32, #tpu.memory_space<hbm>> -> memref<16xf32, #tpu.memory_space<hbm>>
      tpu.enqueue_dma source(%dma_start3A_49 : memref<16xf32, #tpu.memory_space<hbm>>) target(%arg14 : memref<16xf32, #tpu.memory_space<vmem>>) target_semaphore(%arg15 : memref<!tpu.dma_semaphore, #tpu.memory_space<semaphore_mem>>)
      %dma_wait3A_50 = arith.constant 3 : i32
      %dma_wait3A_51 = arith.constant 0 : i32
      %dma_wait3A_52 = tpu.memref_slice %arg6[%dma_wait3A_50, %dma_wait3A_51] : memref<8x16xf32, #tpu.memory_space<hbm>> -> memref<1x16xf32, #tpu.memory_space<hbm>>
      %dma_wait3A_53 = tpu.memref_squeeze %dma_wait3A_52 : memref<1x16xf32, #tpu.memory_space<hbm>> -> memref<16xf32, #tpu.memory_space<hbm>>
      %dma_wait3A_54 = arith.constant 0 : i32
      %dma_wait3A_55 = tpu.memref_slice %arg6[%dma_wait3A_50, %dma_wait3A_54] : memref<8x16xf32, #tpu.memory_space<hbm>> -> memref<1x16xf32, #tpu.memory_space<hbm>>
      %dma_wait3A_56 = tpu.memref_squeeze %dma_wait3A_55 : memref<1x16xf32, #tpu.memory_space<hbm>> -> memref<16xf32, #tpu.memory_space<hbm>>
      tpu.wait_dma2 semaphore(%arg15 : memref<!tpu.dma_semaphore, #tpu.memory_space<semaphore_mem>>) src(%dma_wait3A_56 : memref<16xf32, #tpu.memory_space<hbm>>) dst(%arg14 : memref<16xf32, #tpu.memory_space<vmem>>)
      %get3A_57 = arith.constant 0 : index
      %get3A_58 = tpu.vector_load %arg14[%get3A_57] {strides = array<i32>} : memref<16xf32, #tpu.memory_space<vmem>>, vector<16xf32>,
      %add3A_59 = arith.addf %add3A_42, %get3A_58 : vector<16xf32>
      %dma_start3A_60 = arith.constant 4 : i32
      %dma_start3A_61 = arith.constant 0 : i32
      %dma_start3A_62 = tpu.memref_slice %arg6[%dma_start3A_60, %dma_start3A_61] : memref<8x16xf32, #tpu.memory_space<hbm>> -> memref<1x16xf32, #tpu.memory_space<hbm>>
      %dma_start3A_63 = tpu.memref_squeeze %dma_start3A_62 : memref<1x16xf32, #tpu.memory_space<hbm>> -> memref<16xf32, #tpu.memory_space<hbm>>
      %dma_start3A_64 = arith.constant 0 : i32
      %dma_start3A_65 = tpu.memref_slice %arg6[%dma_start3A_60, %dma_start3A_64] : memref<8x16xf32, #tpu.memory_space<hbm>> -> memref<1x16xf32, #tpu.memory_space<hbm>>
      %dma_start3A_66 = tpu.memref_squeeze %dma_start3A_65 : memref<1x16xf32, #tpu.memory_space<hbm>> -> memref<16xf32, #tpu.memory_space<hbm>>
      tpu.enqueue_dma source(%dma_start3A_66 : memref<16xf32, #tpu.memory_space<hbm>>) target(%arg14 : memref<16xf32, #tpu.memory_space<vmem>>) target_semaphore(%arg15 : memref<!tpu.dma_semaphore, #tpu.memory_space<semaphore_mem>>)
      %dma_wait3A_67 = arith.constant 4 : i32
      %dma_wait3A_68 = arith.constant 0 : i32
      %dma_wait3A_69 = tpu.memref_slice %arg6[%dma_wait3A_67, %dma_wait3A_68] : memref<8x16xf32, #tpu.memory_space<hbm>> -> memref<1x16xf32, #tpu.memory_space<hbm>>
      %dma_wait3A_70 = tpu.memref_squeeze %dma_wait3A_69 : memref<1x16xf32, #tpu.memory_space<hbm>> -> memref<16xf32, #tpu.memory_space<hbm>>
      %dma_wait3A_71 = arith.constant 0 : i32
      %dma_wait3A_72 = tpu.memref_slice %arg6[%dma_wait3A_67, %dma_wait3A_71] : memref<8x16xf32, #tpu.memory_space<hbm>> -> memref<1x16xf32, #tpu.memory_space<hbm>>
      %dma_wait3A_73 = tpu.memref_squeeze %dma_wait3A_72 : memref<1x16xf32, #tpu.memory_space<hbm>> -> memref<16xf32, #tpu.memory_space<hbm>>
      tpu.wait_dma2 semaphore(%arg15 : memref<!tpu.dma_semaphore, #tpu.memory_space<semaphore_mem>>) src(%dma_wait3A_73 : memref<16xf32, #tpu.memory_space<hbm>>) dst(%arg14 : memref<16xf32, #tpu.memory_space<vmem>>)
      %get3A_74 = arith.constant 0 : index
      %get3A_75 = tpu.vector_load %arg14[%get3A_74] {strides = array<i32>} : memref<16xf32, #tpu.memory_space<vmem>>, vector<16xf32>,
      %add3A_76 = arith.addf %add3A_59, %get3A_75 : vector<16xf32>
      %mul3A = arith.constant 2.000000e-01 : f32
      %mul3A_77 = vector.broadcast %mul3A : f32 to vector<16xf32>
      %mul3A_78 = arith.mulf %add3A_76, %mul3A_77 : vector<16xf32>
      %swap3A = arith.constant 0 : index
      %swap3A_79 = tpu.vector_load %arg13[%swap3A] {strides = array<i32>} : memref<16xf32, #tpu.memory_space<vmem>>, vector<16xf32>,
      tpu.vector_store %arg13[%swap3A], %mul3A_78 {strides = array<i32>} : memref<16xf32, #tpu.memory_space<vmem>>, vector<16xf32>,
      %run_scoped3A = arith.constant 0 : i32
      "tpu.region"() ({
        %run_scoped3A_80 = tpu.sem_alloc : memref<!tpu.dma_semaphore, #tpu.memory_space<semaphore_mem>>
        %dma_start3A_81 = arith.constant 0 : i32
        %dma_start3A_82 = tpu.memref_slice %arg6[%run_scoped3A, %dma_start3A_81] : memref<8x16xf32, #tpu.memory_space<hbm>> -> memref<1x16xf32, #tpu.memory_space<hbm>>
        %dma_start3A_83 = tpu.memref_squeeze %dma_start3A_82 : memref<1x16xf32, #tpu.memory_space<hbm>> -> memref<16xf32, #tpu.memory_space<hbm>>
        %dma_start3A_84 = arith.constant 0 : i32
        %dma_start3A_85 = tpu.memref_slice %arg6[%run_scoped3A, %dma_start3A_84] : memref<8x16xf32, #tpu.memory_space<hbm>> -> memref<1x16xf32, #tpu.memory_space<hbm>>
        %dma_start3A_86 = tpu.memref_squeeze %dma_start3A_85 : memref<1x16xf32, #tpu.memory_space<hbm>> -> memref<16xf32, #tpu.memory_space<hbm>>
        tpu.enqueue_dma source(%arg13 : memref<16xf32, #tpu.memory_space<vmem>>) target(%dma_start3A_86 : memref<16xf32, #tpu.memory_space<hbm>>) target_semaphore(%run_scoped3A_80 : memref<!tpu.dma_semaphore, #tpu.memory_space<semaphore_mem>>)
        %dma_wait3A_87 = arith.constant 0 : i32
        %dma_wait3A_88 = tpu.memref_slice %arg6[%run_scoped3A, %dma_wait3A_87] : memref<8x16xf32, #tpu.memory_space<hbm>> -> memref<1x16xf32, #tpu.memory_space<hbm>>
        %dma_wait3A_89 = tpu.memref_squeeze %dma_wait3A_88 : memref<1x16xf32, #tpu.memory_space<hbm>> -> memref<16xf32, #tpu.memory_space<hbm>>
        %dma_wait3A_90 = arith.constant 0 : i32
        %dma_wait3A_91 = tpu.memref_slice %arg6[%run_scoped3A, %dma_wait3A_90] : memref<8x16xf32, #tpu.memory_space<hbm>> -> memref<1x16xf32, #tpu.memory_space<hbm>>
        %dma_wait3A_92 = tpu.memref_squeeze %dma_wait3A_91 : memref<1x16xf32, #tpu.memory_space<hbm>> -> memref<16xf32, #tpu.memory_space<hbm>>
        tpu.wait_dma2 semaphore(%run_scoped3A_80 : memref<!tpu.dma_semaphore, #tpu.memory_space<semaphore_mem>>) src(%arg13 : memref<16xf32, #tpu.memory_space<vmem>>) dst(%dma_wait3A_92 : memref<16xf32, #tpu.memory_space<hbm>>)
        tpu.yield
      }) : () -> ()
    } else {
    }
    return
  }
}

module attributes {stable_mosaic.version = 14 : i64} {
  func.func @_tc_top2(%arg0: memref<5000x4xf32, #tpu.memory_space<vmem>>, %arg1: memref<1x1024xf32, #tpu.memory_space<vmem>>, %arg2: memref<1x1024xf32, #tpu.memory_space<vmem>>, %arg3: memref<1x1024xf32, #tpu.memory_space<vmem>>, %arg4: memref<1x1024xf32, #tpu.memory_space<vmem>>, %arg5: memref<5008x4xf32, #tpu.memory_space<vmem>>) attributes {dimension_semantics = [], scalar_prefetch = 0 : i64, scratch_operands = 0 : i64, tpu.core_type = #tpu.core_type<tc>} {
    %get3A = arith.constant 0 : index
    %get3A_0 = arith.constant 0 : index
    %get3A_1 = vector.load %arg1[%get3A, %get3A_0] : memref<1x1024xf32, #tpu.memory_space<vmem>>, vector<1x1024xf32>
    %get3A_2 = arith.constant 0 : index
    %get3A_3 = arith.constant 0 : index
    %get3A_4 = vector.load %arg2[%get3A_2, %get3A_3] : memref<1x1024xf32, #tpu.memory_space<vmem>>, vector<1x1024xf32>
    %get3A_5 = arith.constant 0 : index
    %get3A_6 = arith.constant 0 : index
    %get3A_7 = vector.load %arg3[%get3A_5, %get3A_6] : memref<1x1024xf32, #tpu.memory_space<vmem>>, vector<1x1024xf32>
    %get3A_8 = arith.constant 0 : index
    %get3A_9 = arith.constant 0 : index
    %get3A_10 = vector.load %arg4[%get3A_8, %get3A_9] : memref<1x1024xf32, #tpu.memory_space<vmem>>, vector<1x1024xf32>
    %sub3A = arith.subf %get3A_7, %get3A_1 : vector<1x1024xf32>
    %sub3A_11 = arith.subf %get3A_10, %get3A_4 : vector<1x1024xf32>
    %mul3A = arith.mulf %sub3A, %sub3A_11 : vector<1x1024xf32>
    %iota3A = tpu.iota {dimensions = array<i32: 1>} : vector<1000x1024xi32>
    %scan3A = arith.constant 0 : i32
    %scan3A_12 = arith.constant 5 : i32
    %scan3A_13 = arith.addi %scan3A, %scan3A_12 : i32
    %scan3A_14 = arith.constant 1 : i32
    scf.for %scan3A_19 = %scan3A to %scan3A_13 step %scan3A_14  : i32 {
      %mul3A_20 = arith.constant 1000 : i32
      %mul3A_21 = arith.muli %scan3A_19, %mul3A_20 : i32
      %get3A_22 = arith.index_cast %mul3A_21 : i32 to index
      %get3A_23 = arith.constant 0 : index
      %get3A_24 = vector.load %arg0[%get3A_22, %get3A_23] : memref<5000x4xf32, #tpu.memory_space<vmem>>, vector<1000x4xf32>
      %slice3A = vector.extract_strided_slice %get3A_24 {offsets = [0, 0], sizes = [1000, 1], strides = [1, 1]} : vector<1000x4xf32> to vector<1000x1xf32>
      %slice3A_25 = vector.extract_strided_slice %get3A_24 {offsets = [0, 1], sizes = [1000, 1], strides = [1, 1]} : vector<1000x4xf32> to vector<1000x1xf32>
      %slice3A_26 = vector.extract_strided_slice %get3A_24 {offsets = [0, 2], sizes = [1000, 1], strides = [1, 1]} : vector<1000x4xf32> to vector<1000x1xf32>
      %slice3A_27 = vector.extract_strided_slice %get3A_24 {offsets = [0, 3], sizes = [1000, 1], strides = [1, 1]} : vector<1000x4xf32> to vector<1000x1xf32>
      %sub3A_28 = arith.subf %slice3A_26, %slice3A : vector<1000x1xf32>
      %sub3A_29 = arith.subf %slice3A_27, %slice3A_25 : vector<1000x1xf32>
      %mul3A_30 = arith.mulf %sub3A_28, %sub3A_29 : vector<1000x1xf32>
      %max3A = vector.broadcast %slice3A : vector<1000x1xf32> to vector<1000x1024xf32>
      %max3A_31 = vector.broadcast %get3A_1 : vector<1x1024xf32> to vector<1000x1024xf32>
      %max3A_32 = arith.maximumf %max3A, %max3A_31 : vector<1000x1024xf32>
      %max3A_33 = vector.broadcast %slice3A_25 : vector<1000x1xf32> to vector<1000x1024xf32>
      %max3A_34 = vector.broadcast %get3A_4 : vector<1x1024xf32> to vector<1000x1024xf32>
      %max3A_35 = arith.maximumf %max3A_33, %max3A_34 : vector<1000x1024xf32>
      %min3A = vector.broadcast %slice3A_26 : vector<1000x1xf32> to vector<1000x1024xf32>
      %min3A_36 = vector.broadcast %get3A_7 : vector<1x1024xf32> to vector<1000x1024xf32>
      %min3A_37 = arith.minimumf %min3A, %min3A_36 : vector<1000x1024xf32>
      %min3A_38 = vector.broadcast %slice3A_27 : vector<1000x1xf32> to vector<1000x1024xf32>
      %min3A_39 = vector.broadcast %get3A_10 : vector<1x1024xf32> to vector<1000x1024xf32>
      %min3A_40 = arith.minimumf %min3A_38, %min3A_39 : vector<1000x1024xf32>
      %sub3A_41 = arith.subf %min3A_37, %max3A_32 : vector<1000x1024xf32>
      %max3A_42 = arith.constant 0.000000e+00 : f32
      %max3A_43 = vector.broadcast %max3A_42 : f32 to vector<1000x1024xf32>
      %max3A_44 = arith.maximumf %sub3A_41, %max3A_43 : vector<1000x1024xf32>
      %sub3A_45 = arith.subf %min3A_40, %max3A_35 : vector<1000x1024xf32>
      %max3A_46 = arith.constant 0.000000e+00 : f32
      %max3A_47 = vector.broadcast %max3A_46 : f32 to vector<1000x1024xf32>
      %max3A_48 = arith.maximumf %sub3A_45, %max3A_47 : vector<1000x1024xf32>
      %mul3A_49 = arith.mulf %max3A_44, %max3A_48 : vector<1000x1024xf32>
      %add3A = vector.broadcast %mul3A_30 : vector<1000x1xf32> to vector<1000x1024xf32>
      %add3A_50 = vector.broadcast %mul3A : vector<1x1024xf32> to vector<1000x1024xf32>
      %add3A_51 = arith.addf %add3A, %add3A_50 : vector<1000x1024xf32>
      %sub3A_52 = arith.subf %add3A_51, %mul3A_49 : vector<1000x1024xf32>
      %div3A = arith.divf %mul3A_49, %sub3A_52 : vector<1000x1024xf32>
      %reduce_max3A = arith.constant dense<0xFF800000> : vector<1000xf32>
      %reduce_max3A_53 = vector.multi_reduction <maximumf>, %div3A, %reduce_max3A [1] : vector<1000x1024xf32> to vector<1000xf32>
      %broadcast_in_dim3A_54 = vector.shape_cast %reduce_max3A_53 : vector<1000xf32> to vector<1000x1xf32>
      %eq3A = vector.broadcast %broadcast_in_dim3A_54 : vector<1000x1xf32> to vector<1000x1024xf32>
      %eq3A_55 = arith.cmpf oeq, %div3A, %eq3A : vector<1000x1024xf32>
      %jit3A = arith.constant 2048 : i32
      %broadcast_in_dim3A_56 = vector.broadcast %jit3A : i32 to vector<1000x1024xi32>
      %select_n3A = arith.select %eq3A_55, %iota3A, %broadcast_in_dim3A_56 : vector<1000x1024xi1>, vector<1000x1024xi32>
      %reduce_min3A = arith.constant dense<2147483647> : vector<1000xi32>
      %reduce_min3A_57 = vector.multi_reduction <minsi>, %select_n3A, %reduce_min3A [1] : vector<1000x1024xi32> to vector<1000xi32>
      %broadcast_in_dim3A_58 = vector.shape_cast %reduce_min3A_57 : vector<1000xi32> to vector<1000x1xi32>
      %eq3A_59 = vector.broadcast %broadcast_in_dim3A_58 : vector<1000x1xi32> to vector<1000x1024xi32>
      %eq3A_60 = arith.cmpi eq, %iota3A, %eq3A_59 : vector<1000x1024xi32>
      %jit3A_61 = arith.constant -1.000000e+00 : f32
      %broadcast_in_dim3A_62 = vector.broadcast %jit3A_61 : f32 to vector<1000x1024xf32>
      %select_n3A_63 = arith.select %eq3A_60, %broadcast_in_dim3A_62, %div3A : vector<1000x1024xi1>, vector<1000x1024xf32>
      %reduce_max3A_64 = arith.constant dense<0xFF800000> : vector<1000xf32>
      %reduce_max3A_65 = vector.multi_reduction <maximumf>, %select_n3A_63, %reduce_max3A_64 [1] : vector<1000x1024xf32> to vector<1000xf32>
      %broadcast_in_dim3A_66 = vector.shape_cast %reduce_max3A_65 : vector<1000xf32> to vector<1000x1xf32>
      %eq3A_67 = vector.broadcast %broadcast_in_dim3A_66 : vector<1000x1xf32> to vector<1000x1024xf32>
      %eq3A_68 = arith.cmpf oeq, %select_n3A_63, %eq3A_67 : vector<1000x1024xf32>
      %jit3A_69 = arith.constant 2048 : i32
      %broadcast_in_dim3A_70 = vector.broadcast %jit3A_69 : i32 to vector<1000x1024xi32>
      %select_n3A_71 = arith.select %eq3A_68, %iota3A, %broadcast_in_dim3A_70 : vector<1000x1024xi1>, vector<1000x1024xi32>
      %reduce_min3A_72 = arith.constant dense<2147483647> : vector<1000xi32>
      %reduce_min3A_73 = vector.multi_reduction <minsi>, %select_n3A_71, %reduce_min3A_72 [1] : vector<1000x1024xi32> to vector<1000xi32>
      %broadcast_in_dim3A_74 = vector.shape_cast %reduce_min3A_73 : vector<1000xi32> to vector<1000x1xi32>
      %bitcast_convert_type3A = tpu.bitcast %broadcast_in_dim3A_58 : vector<1000x1xi32> -> vector<1000x1xf32>
      %bitcast_convert_type3A_75 = tpu.bitcast %broadcast_in_dim3A_74 : vector<1000x1xi32> -> vector<1000x1xf32>
      %concatenate3A = tpu.concatenate %broadcast_in_dim3A_54, %broadcast_in_dim3A_66, %bitcast_convert_type3A, %bitcast_convert_type3A_75 in 1 : vector<1000x1xf32>, vector<1000x1xf32>, vector<1000x1xf32>, vector<1000x1xf32> -> vector<1000x4xf32>
      %swap3A_76 = arith.index_cast %mul3A_21 : i32 to index
      %swap3A_77 = arith.constant 0 : index
      %swap3A_78 = vector.load %arg5[%swap3A_76, %swap3A_77] : memref<5008x4xf32, #tpu.memory_space<vmem>>, vector<1000x4xf32>
      tpu.vector_store %arg5[%swap3A_76, %swap3A_77], %concatenate3A {strides = array<i32>} : memref<5008x4xf32, #tpu.memory_space<vmem>>, vector<1000x4xf32>,
    }
    %scan3A_15 = arith.constant 5 : i32
    %broadcast_in_dim3A = arith.constant 0.000000e+00 : f32
    %broadcast_in_dim3A_16 = vector.broadcast %broadcast_in_dim3A : f32 to vector<8x4xf32>
    %swap3A = arith.constant 5000 : index
    %swap3A_17 = arith.constant 0 : index
    %swap3A_18 = vector.load %arg5[%swap3A, %swap3A_17] : memref<5008x4xf32, #tpu.memory_space<vmem>>, vector<8x4xf32>
    tpu.vector_store %arg5[%swap3A, %swap3A_17], %broadcast_in_dim3A_16 {strides = array<i32>} : memref<5008x4xf32, #tpu.memory_space<vmem>>, vector<8x4xf32>,
    return
  }
}

</mosaic_0001>

<sc_bundles>
// kernel: kernel.4.cloned.1.call-start
scs
__scs_entry_jumppad:
0x0: {  	(pc) =	sbr.rel $0x88, $3  }
0x1: {  	(tag) =	ssettag $0x0;
	lr =	simm.s32 $0x1  }
0x2: {  	[smem:$0x3F9F] =	sst lr;
	_ =	strace $0xD0000000  }
0x3: {  	_ = 	snop  }
0x4: {  	_ = 	snop  }
0x5: {  	_ = 	snop  }
0x6: {  	_ = 	snop  }
0x7: {  	_ = 	snop  }
__scs_overlays_trampoline_lowered:
0x8: {  	[smem:$0x3FAE] =	sst s0  }
0x9: {  	[smem:$0x3FAF] =	sst s1  }
0xa: {  	[smem:$0x3FB0] =	sst s2  }
0xb: {  	[smem:$0x3FB1] =	sst s3  }
0xc: {  	[smem:$0x3FB2] =	sst s4  }
0xd: {  	[smem:$0x3FB3] =	sst s5  }
0xe: {  	[smem:$0x3FB4] =	sst s6  }
0xf: {  	[smem:$0x3FB5] =	sst s7  }
0x10: {  	[smem:$0x3FB6] =	sst s8  }
0x11: {  	[smem:$0x3FB7] =	sst s9;
	s0 =	simm.s32 @!p0 $0x0  }
0x12: {  	s1 =	sld [smem:$0x3F9D];
	s0 =	simm.s32 @p0 $0x1  }
0x13: {  	[smem:$0x3FB8] =	sst s0;
	s0 =	simm.s32 @!p1 $0x0  }
0x14: {  	s2 =	sld [smem:$0x3F9C];
	s0 =	simm.s32 @p1 $0x1  }
0x15: {  	[smem:$0x3FB9] =	sst s0;
	s0 =	simm.s32 @!p2 $0x0  }
0x16: {  	s3 =	sld [smem:$0x3FDB];
	s0 =	simm.s32 @p2 $0x1  }
0x17: {  	s4 =	simm.s32 $0x1BF5;
	[smem:$0x3FBB] =	sst s0  }
0x18: {  	s0 =	sld [smem:$0x3F9E];
	_ =	swait.ge [sflag:s4], $0x0  }
0x19: {  	s7 =	sld [smem:$0x3F9F]  }
0x1a: {  	s8 =	sadd.s32 $0xFFFFE003, lr  }
0x1b: {  	s9 =	sadd.s32 $0xFFFFFEF7, lr;
	s5 =	simm.s32 $0xFFFFFFFF;
	p2 =	slt.u32 s8, $0xFFFFF086  }
0x1c: {  	p1 =	slt.u32 s9, $0xF7A;
	s5 =	simm.s32 @!p2 $0x0  }
0x1d: {  	s5 =	simm.s32 @p1 $0x1;
	p0 =	seq.s32 s7, s2  }
0x1e: {  	s7 =	smul.u32 @!p0 $0xF7A, s2;
	p2 =	seq.s32 @!p0 s5, $0x0  }
0x1f: {  	s9 =	smul.u32 $0xF7A, s1;
	s8 =	simm.s32 @!p0 $0x1BF5;
	p2 =	por !p2, p0  }
0x20: {  	[sflag:s8] =	ssyncset.s32 @!p0 $0xFFFFF086;
	s6 =	sadd.s32 @!p0 s3, s7;
	s7 =	simm.s32 @!p0 $0x108  }
0x21: {  	s3 =	sadd.s32 s3, s9;
	s6 =	sadd.s32 @!p0 $0x88, s6;
	s7 =	simm.s32 @p2 $0x1082  }
0x22: {  	[simem:s7], [sflag:s8] =	dma.local @!p0 [hbm:s6], $0xF7A  }
0x23: {  	s9 =	sor.u32 $0xD0000000, s2;
	s6 =	simm.s32 $0x108;
	_ =	swait.ge @!p0 [sflag:s8], $0x0  }
0x24: {  	s3 =	sadd.s32 $0x88, s3;
	s6 =	simm.s32 @!p1 $0x1082;
	[sflag:s4] =	ssyncset.s32 $0xFFFFF086  }
0x25: {  	[simem:s6], [sflag:s4] =	dma.local [hbm:s3], $0xF7A  }
0x26: {  	[smem:$0x3F9F] =	sst s1;
	(tag) =	ssettag s2;
	_ =	strace s9  }
0x27: {  	s1 =	sld [smem:$0x3FAF]  }
0x28: {  	s2 =	sld [smem:$0x3FB0]  }
0x29: {  	s4 =	sld [smem:$0x3FB2]  }
0x2a: {  	p0 =	seq.s32 s5, $0x0;
	s5 =	sld [smem:$0x3FB3]  }
0x2b: {  	s6 =	sld [smem:$0x3FB4]  }
0x2c: {  	s7 =	sld [smem:$0x3FB5]  }
0x2d: {  	s3 =	simm.s32 $0x108;
	s8 =	sld [smem:$0x3FB6]  }
0x2e: {  	s3 =	simm.s32 @!p0 $0x1082;
	s9 =	sld [smem:$0x3FB7]  }
0x2f: {  	lr =	sadd.s32 s0, s3;
	s0 =	sld [smem:$0x3FAE]  }
0x30: {  	s3 =	sld [smem:$0x3FB1]  }
0x31: {  	[smem:$0x3FBA] =	sst s10  }
0x32: {  	s10 =	sld [smem:$0x3FB8];
	_ =	sdelay $0x3  }
0x33: {  	p0 =	seq.s32 s10, $0x1;
	s10 =	sld [smem:$0x3FBA];
	_ =	sdelay $0x3  }
0x34: {  	[smem:$0x3FBA] =	sst s10  }
0x35: {  	s10 =	sld [smem:$0x3FB9];
	_ =	sdelay $0x3  }
0x36: {  	p1 =	seq.s32 s10, $0x1;
	s10 =	sld [smem:$0x3FBA];
	_ =	sdelay $0x3  }
0x37: {  	[smem:$0x3FBA] =	sst s10  }
0x38: {  	s10 =	sld [smem:$0x3FBB]  }
0x39: {  	_ = 	snop;
	(pc) =	sbr.ind lr, $3  }
0x3a: {  	_ = 	snop  }
0x3b: {  	_ = 	snop  }
0x3c: {  	p2 =	seq.s32 s10, $0x1;
	s10 =	sld [smem:$0x3FBA]  }
0x3d: {  	_ =	shalt  }
0x3e: {  	_ =	shalt  }
0x3f: {  	_ =	shalt  }
0x40: {  	_ =	shalt  }
0x41: {  	_ =	shalt  }
0x42: {  	_ =	shalt  }
0x43: {  	_ =	shalt  }
0x44: {  	_ =	shalt  }
0x45: {  	_ =	shalt  }
0x46: {  	_ =	shalt  }
0x47: {  	_ =	shalt  }
0x48: {  	_ =	shalt  }
0x49: {  	_ =	shalt  }
0x4a: {  	_ =	shalt  }
0x4b: {  	_ =	shalt  }
0x4c: {  	_ =	shalt  }
0x4d: {  	_ =	shalt  }
0x4e: {  	_ =	shalt  }
0x4f: {  	_ =	shalt  }
0x50: {  	_ =	shalt  }
0x51: {  	_ =	shalt  }
0x52: {  	_ =	shalt  }
0x53: {  	_ =	shalt  }
0x54: {  	_ =	shalt  }
0x55: {  	_ =	shalt  }
0x56: {  	_ =	shalt  }
0x57: {  	_ =	shalt  }
0x58: {  	_ =	shalt  }
0x59: {  	_ =	shalt  }
0x5a: {  	_ =	shalt  }
0x5b: {  	_ =	shalt  }
0x5c: {  	_ =	shalt  }
0x5d: {  	_ =	shalt  }
0x5e: {  	_ =	shalt  }
0x5f: {  	_ =	shalt  }
0x60: {  	_ =	shalt  }
0x61: {  	_ =	shalt  }
0x62: {  	_ =	shalt  }
0x63: {  	_ =	shalt  }
0x64: {  	_ =	shalt  }
0x65: {  	_ =	shalt  }
0x66: {  	_ =	shalt  }
0x67: {  	_ =	shalt  }
0x68: {  	_ =	shalt  }
0x69: {  	_ =	shalt  }
0x6a: {  	_ =	shalt  }
0x6b: {  	_ =	shalt  }
0x6c: {  	_ =	shalt  }
0x6d: {  	_ =	shalt  }
0x6e: {  	_ =	shalt  }
0x6f: {  	_ =	shalt  }
0x70: {  	_ =	shalt  }
0x71: {  	_ =	shalt  }
0x72: {  	_ =	shalt  }
0x73: {  	_ =	shalt  }
0x74: {  	_ =	shalt  }
0x75: {  	_ =	shalt  }
0x76: {  	_ =	shalt  }
0x77: {  	_ =	shalt  }
0x78: {  	_ =	shalt  }
0x79: {  	_ =	shalt  }
0x7a: {  	_ =	shalt  }
0x7b: {  	_ =	shalt  }
0x7c: {  	_ =	shalt  }
0x7d: {  	_ =	shalt  }
0x7e: {  	_ =	shalt  }
0x7f: {  	_ =	shalt  }
0x80: {  	_ =	shalt  }
0x81: {  	_ =	shalt  }
0x82: {  	_ =	shalt  }
0x83: {  	_ =	shalt  }
0x84: {  	_ =	shalt  }
0x85: {  	_ =	shalt  }
0x86: {  	_ =	shalt  }
0x87: {  	_ =	shalt  }
.Lfunc_end0:
.L_simem_size_0:
called_computation_lowered:
.L_overlay_start_0:
0x88: {  	s2 =	sld [smem:$0x3FD9]  }
0x89: {  	s3 =	sld [smem:$0x3FFE];
	_ =	sdelay $0x1  }
0x8a: {  	s1 =	srdreg.scid  }
0x8b: {  	s0 =	sand.u32 $0x1, s1  }
0x8c: {  	s16 =	sshll.u32 s0, $0xA;
	s2 =	sadd.s32 s3, s2  }
0x8d: {  	s2 =	sadd.s32 s2, s16  }
0x8e: {  	[smem:$0x3FC6] =	sst s2  }
0x8f: {  	_ = 	snop  }
0x90: {  	(tm) =	ssettm $0x1  }
0x91: {  	s17 =	sld [smem:$0x3FFB];
	_ =	sdelay $0x3  }
0x92: {  	_ =	strace s17  }
0x93: {  	s2 =	sld [smem:$0x3FFC];
	_ =	sdelay $0x3  }
0x94: {  	_ =	strace s2  }
0x95: {  	s2 =	sld [smem:$0x3FFD];
	_ =	sdelay $0x3  }
0x96: {  	_ =	strace s2  }
0x97: {  	_ =	strace $0x8FFFFFFF  }
0x98: {  	s18 =	sld [smem:$0x3FDB];
	_ =	sdelay $0x1  }
0x99: {  	s19 =	simm.s32 $_scs_section_size  }
0x9a: {  	s4 =	simm.s32 $_size__tile_overlayer_lowered;
	s5 =	simm.s32 $_tile_overlayer_lowered  }
0x9b: {  	s22 =	simm.s32 $0x1BFF;
	s21 =	sshll.u32 s5, $0x1;
	s2 =	sadd.s32 s19, s18  }
0x9c: {  	s6 =	simm.s32 $0x0;
	s20 =	sshll.u32 s4, $0x1;
	s4 =	sadd.s32 s21, s2  }
0x9d: {  	[timem:s6], [sflag:s22] =	dma.local [hbm:s4], s20  }
0x9e: {  	_ =	swait.ge [sflag:s22], s20  }
0x9f: {  	s3 =	ssub.s32 $0x0, s20;
	[sflag:s22] =	ssyncset.done $0x0  }
0xa0: {  	[sflag:s22] =	ssyncadd.s32 s3;
	_ =	sdelay $0x1  }
0xa1: {  	s23 =	simm.s32 $0x1B8B  }
0xa2: {  	_ =	swait.ge [sflag:s23], $0x1  }
0xa3: {  	[sflag:s23] =	ssyncset.done $0x0  }
0xa4: {  	s25 =	simm.s32 $0x1B8E;
	s24 =	sld [smem:$0x3FFE];
	[sflag:s23] =	ssyncadd.s32 $0xFFFFFFFF  }
0xa5: {  	s26 =	simm.s32 $execute0_lowered;
	[smem:$0x3FD2] =	sst s25  }
0xa6: {  	s4 =	sshll.u32 s26, $0x1;
	_ =	strace $0x80000046;
	[dreg:$0x1] =	wrdreg $0xFFFFFFFF  }
0xa7: {  	s28 =	simm.s32 $_size_execute0_lowered;
	s2 =	sadd.s32 s2, s4;
	[dreg:$0x0] =	wrdreg $0x0  }
0xa8: {  	s4 =	sshll.u32 s28, $0x1;
	[dreg:$0x2] =	wrdreg s2  }
0xa9: {  	[dreg:$0x3] =	wrdreg s4  }
0xaa: {  	[dreg:$0x4] =	wrdreg $0xC0  }
0xab: {  	_ =	task [dreg:s6], $0x5FFFF  }
0xac: {  	[dreg:$0x1] =	wrdreg $0xFFFFFFFF  }
0xad: {  	[dreg:$0x0] =	wrdreg $0x60  }
0xae: {  	[dreg:$0x2] =	wrdreg s24  }
0xaf: {  	[dreg:$0x3] =	wrdreg $0x9  }
0xb0: {  	_ =	task.clear_ibuf [dreg:s6], $0x4FFFF;
	_ =	strace $0x90000046  }
0xb1: {  	s29 =	simm.s32 $0x9;
	_ =	strace $0x80000048  }
0xb2: {  	_ =	swait.ge [sflag:s29], $0x1  }
0xb3: {  	[sflag:s29] =	ssyncadd.s32 $0xFFFFFFFF  }
0xb4: {  	_ =	strace $0x90000048  }
0xb5: {  	_ =	sfence  }
0xb6: {  	s30 =	sld [smem:$0x0];
	_ =	sdelay $0x2  }
0xb7: {  	s31 =	sshll.u32 s1, $0xD;
	s1 =	sshrl.u32 s1, $0x2  }
0xb8: {  	s3 =	sand.u32 $0x4000, s31;
	s1 =	sadd.s32 s1, s30  }
0xb9: {  	s0 =	sor.u32 s3, s0;
	s1 =	sshll.u32 s1, $0x11  }
0xba: {  	s0 =	sor.u32 s1, s0  }
0xbb: {  	s0 =	sadd.s32 $0x8F2B, s0  }
0xbc: {  	[sflag:s0] =	ssyncadd.remote.s32 $0x1  }
0xbd: {  	_ =	sfence.sel $0xFFFF  }
0xbe: {  	[dreg:$0x0] =	wrdreg $0xFFFFFFFF;
	(pc) =	sbr.abs _section_cstart, $3  }
0xbf: {  	[dreg:$0x1] =	wrdreg $0xFFFFFFFF  }
0xc0: {  	_ =	task.clear_ibuf [dreg:s6], $0x2FFFF;
	_ =	strace $0x9FFFFFFF  }
0xc1: {  	(tm) =	ssettm $0x7FFFFFFF  }
tec
execute0_lowered:
.L_overlay_start_1:
0x0: {  	(tag) =	ssettag $0x1  }
0x1: {  	s12 =	rddreg [dreg:$0x0]  }
0x2: {  	s0 =	rddreg [dreg:$0x1];
	s1 =	simm.s32 $0x0;
	s7 =	srdreg.scid  }
0x3: {  	s3 =	stileid.u32;
	s14 =	simm.s32 $0x4E80;
	s15 =	simm.s32 $0x9D00  }
0x4: {  	s16 =	simm.s32 $0xAD00;
	s17 =	simm.s32 $0x1;
	s19 =	simm.s32 $0xAE00  }
0x5: {  	s20 =	simm.s32 $0xB200;
	s21 =	simm.s32 $0x2;
	[smem:$0x7FF] =	sst s1  }
0x6: {  	s2 =	sadd.s32 $0xC00, s12;
	s4 =	sadd.s32 $0x1600, s12;
	s5 =	sadd.s32 $0x2000, s12  }
0x7: {  	s6 =	sadd.s32 $0x2200, s12;
	s9 =	sand.u32 $0x1, s7;
	p1 =	slt.u32 s3, $0x5  }
0x8: {  	s7 =	sadd.s32 $0x2400, s12;
	s31 =	sshll.u32 s3, $0x4;
	s18 =	sshll.u32 s3, $0x6  }
0x9: {  	s11 =	sadd.s32 $0x2430, s12;
	_ =	strace $0x80000047;
	s8 =	ssub.s32 $0x2, s9  }
.Ltmp0:
0xa: {  	p0 =	seq.s32 s9, $0x0;
	s22 =	sor.u32 s3, s9;
	(pc) =	sbr.rel .LBB2_1-.Ltmp0, $4  }
0xb: {  	s9 =	sadd.s32 $0x2410, s12;
	s18 =	sshrl.u32 s18, $0x2;
	s10 =	sshrl.u32 s8, $0x1  }
0xc: {  	p0 =	por !p0, !p1;
	p1 =	sne.s32 s22, $0x0;
	s22 =	simm.s32 $0x0  }
0xd: {  	v0 =	vlaneseq.u32;
	s13 =	ssub.s32 s8, s10;
	p0 =	por !p0, !p0;
	s8 =	sadd.s32 s7, s31  }
0xe: {  	v1 =	vimm.f32 $0.0e+00;
	v3 =	vimm.f32 $1.000000000e+00;
	v2 =	vmul.u32 $0x4, v0;
	s10 =	sadd.s32 $0x2420, s12;
	s12 =	sadd.s32 $0x2440, s12;
	s13 =	smax.u32 s13, $0x1  }
.LBB2_21:
0xf: {  	[bflag:$0x0] =	sbarrier.arrive $0xFFFF  }
0x10: {  	s23 =	simm.s32 @!p1 $0x0;
	s24 =	simm.s32 @!p1 $0xB280;
	s25 =	simm.s32 @!p1 $0x1  }
0x11: {  	v4 =	vld @!p1 [tilespmem:$0xB200];
	[tilespmem:s24], [sflag:$0x1] =	stream.linear.gather @!p1 [hbm4b:s9+s23], $0x80, $0x38;
	[tilespmem:$0xB300] =	vst v63  }
0x12: {  	_ =	swait.ge @!p1 [sflag:s25], $0x80  }
0x13: {  	[sflag:s25] =	ssyncset.done @!p1 $0x0  }
0x14: {  	[sflag:s25] =	ssyncadd.s32 @!p1 $0xFFFFFF80  }
0x15: {  	v5 =	vld @!p1 [tilespmem:$0xB280];
	[tilespmem:s24], [sflag:$0x1] =	stream.linear.gather @!p1 [hbm4b:s10+s23], $0x80, $0x38;
	[tilespmem:$0xB300] =	vst v63  }
0x16: {  	_ =	swait.ge @!p1 [sflag:s25], $0x80  }
0x17: {  	[sflag:s25] =	ssyncset.done @!p1 $0x0  }
0x18: {  	[sflag:s25] =	ssyncadd.s32 @!p1 $0xFFFFFF80  }
0x19: {  	v6 =	vld @!p1 [tilespmem:$0xB280];
	[tilespmem:s24], [sflag:$0x1] =	stream.linear.gather @!p1 [hbm4b:s11+s23], $0x80, $0x38;
	[tilespmem:$0xB300] =	vst v63  }
0x1a: {  	_ =	swait.ge @!p1 [sflag:s25], $0x80  }
0x1b: {  	[sflag:s25] =	ssyncset.done @!p1 $0x0  }
0x1c: {  	[sflag:s25] =	ssyncadd.s32 @!p1 $0xFFFFFF80  }
0x1d: {  	v7 =	vld @!p1 [tilespmem:$0xB280];
	[tilespmem:s24], [sflag:$0x1] =	stream.linear.gather @!p1 [hbm4b:s12+s23], $0x80, $0x38;
	[tilespmem:$0xB300] =	vst v63  }
0x1e: {  	_ =	swait.ge @!p1 [sflag:s25], $0x80  }
0x1f: {  	[sflag:s25] =	ssyncset.done @!p1 $0x0  }
0x20: {  	v4 =	vadd.f32 @!p1 v5, v4;
	[sflag:s25] =	ssyncadd.s32 @!p1 $0xFFFFFF80  }
0x21: {  	v5 =	vld @!p1 [tilespmem:$0xB280]  }
0x22: {  	v4 =	vadd.f32 @!p1 v6, v4;
	_ =	sdelay $0x1  }
0x23: {  	v4 =	vadd.f32 @!p1 v7, v4;
	_ =	sdelay $0x1  }
0x24: {  	v4 =	vadd.f32 @!p1 v5, v4;
	_ =	sdelay $0x1  }
0x25: {  	v4 =	vmul.f32 @!p1 $2.000000030e-01, v4  }
0x26: {  	s22 =	sadd.s32 $0x1, s22  }
0x27: {  	p2 =	sne.s32 s22, s13;
	s24 =	simm.s32 @!p1 $0xB200;
	[tilespmem:$0xB200] =	vst @!p1 v4  }
0x28: {  	[hbm4b:s7+s23] =	stream.linear.scatter @!p1 [tilespmem:s24], [sflag:$0x2], $0x80, $0x38;
	[tilespmem:$0xB300] =	vst v63  }
.Ltmp1:
0x29: {  	_ = 	snop;
	(pc) =	sbr.rel @!p2 .LBB2_22-.Ltmp1, $4  }
0x2a: {  	s23 =	simm.s32 @!p1 $0x2  }
0x2b: {  	_ =	swait.ge @!p1 [sflag:s23], $0x80  }
0x2c: {  	[sflag:s23] =	ssyncset.done @!p1 $0x0  }
0x2d: {  	[sflag:s23] =	ssyncadd.s32 @!p1 $0xFFFFFF80  }
.LBB2_1:
.Ltmp2:
0x2e: {  	(pc) =	sbr.rel @!p0 .LBB2_21-.Ltmp2, $1  }
0x2f: {  	_ =	sdelay $0x3  }
0x30: {  	s23 =	simm.s32 $0x0  }
0x31: {  	[tilespmem:s23], [sflag:$0x1] =	stream.linear.gather [hbm4b:s2+s23], $0x4E80, $0x38;
	[tilespmem:$0xB300] =	vst v63  }
0x32: {  	_ = 	snop  }
0x33: {  	[tilespmem:s14], [sflag:$0x1] =	stream.linear.gather [hbm4b:s4+s23], $0x4E80, $0x38;
	[tilespmem:$0xB300] =	vst v63  }
0x34: {  	_ = 	snop  }
0x35: {  	[tilespmem:s15], [sflag:$0x1] =	stream.linear.gather [hbm4b:s5+s23], $0x1000, $0x38;
	[tilespmem:$0xB300] =	vst v63  }
0x36: {  	_ = 	snop  }
0x37: {  	[tilespmem:s16], [sflag:$0x1] =	stream.linear.gather [hbm4b:s6+s23], $0x100, $0x38;
	[tilespmem:$0xB300] =	vst v63  }
0x38: {  	_ =	swait.ge [sflag:s17], $0x4E80  }
0x39: {  	[sflag:s17] =	ssyncset.done $0x0  }
0x3a: {  	[sflag:s17] =	ssyncadd.s32 $0xFFFFB180  }
0x3b: {  	_ =	swait.ge [sflag:s17], $0x4E80  }
0x3c: {  	[sflag:s17] =	ssyncset.done $0x0  }
0x3d: {  	[sflag:s17] =	ssyncadd.s32 $0xFFFFB180  }
0x3e: {  	_ =	swait.ge [sflag:s17], $0x1000  }
0x3f: {  	[sflag:s17] =	ssyncset.done $0x0  }
0x40: {  	[sflag:s17] =	ssyncadd.s32 $0xFFFFF000  }
0x41: {  	_ =	swait.ge [sflag:s17], $0x100  }
0x42: {  	[sflag:s17] =	ssyncset.done $0x0  }
0x43: {  	[sflag:s17] =	ssyncadd.s32 $0xFFFFFF00  }
0x44: {  	v4 =	vld [tilespmem:s18+$0xAD00];
	[tilespmem:$0xAE00] =	vst v1  }
0x45: {  	[tilespmem:$0xAE10] =	vst v1  }
0x46: {  	[tilespmem:$0xAE20] =	vst v1  }
0x47: {  	[tilespmem:$0xAE30] =	vst v1  }
0x48: {  	[tilespmem:$0xAE40] =	vst v1  }
0x49: {  	[tilespmem:$0xAE50] =	vst v1  }
0x4a: {  	[tilespmem:$0xAE60] =	vst v1  }
0x4b: {  	[tilespmem:$0xAE70] =	vst v1  }
0x4c: {  	[tilespmem:$0xAE80] =	vst v1  }
0x4d: {  	[tilespmem:$0xAE90] =	vst v1  }
0x4e: {  	[tilespmem:$0xAEA0] =	vst v1  }
0x4f: {  	[tilespmem:$0xAEB0] =	vst v1  }
0x50: {  	[tilespmem:$0xAEC0] =	vst v1  }
0x51: {  	[tilespmem:$0xAED0] =	vst v1  }
0x52: {  	[tilespmem:$0xAEE0] =	vst v1  }
0x53: {  	[tilespmem:$0xAEF0] =	vst v1  }
0x54: {  	[tilespmem:$0xAF00] =	vst v1  }
0x55: {  	[tilespmem:$0xAF10] =	vst v1  }
0x56: {  	[tilespmem:$0xAF20] =	vst v1  }
0x57: {  	[tilespmem:$0xAF30] =	vst v1  }
0x58: {  	[tilespmem:$0xAF40] =	vst v1  }
0x59: {  	[tilespmem:$0xAF50] =	vst v1  }
0x5a: {  	[tilespmem:$0xAF60] =	vst v1  }
0x5b: {  	[tilespmem:$0xAF70] =	vst v1  }
0x5c: {  	[tilespmem:$0xAF80] =	vst v1  }
0x5d: {  	[tilespmem:$0xAF90] =	vst v1  }
0x5e: {  	[tilespmem:$0xAFA0] =	vst v1  }
0x5f: {  	[tilespmem:$0xAFB0] =	vst v1  }
0x60: {  	[tilespmem:$0xAFC0] =	vst v1  }
0x61: {  	[tilespmem:$0xAFD0] =	vst v1  }
0x62: {  	[tilespmem:$0xAFE0] =	vst v1  }
0x63: {  	[tilespmem:$0xAFF0] =	vst v1  }
0x64: {  	[tilespmem:$0xB000] =	vst v1  }
0x65: {  	[tilespmem:$0xB010] =	vst v1  }
0x66: {  	[tilespmem:$0xB020] =	vst v1  }
0x67: {  	[tilespmem:$0xB030] =	vst v1  }
0x68: {  	[tilespmem:$0xB040] =	vst v1  }
0x69: {  	[tilespmem:$0xB050] =	vst v1  }
0x6a: {  	[tilespmem:$0xB060] =	vst v1  }
0x6b: {  	[tilespmem:$0xB070] =	vst v1  }
0x6c: {  	[tilespmem:$0xB080] =	vst v1  }
0x6d: {  	[tilespmem:$0xB090] =	vst v1  }
0x6e: {  	[tilespmem:$0xB0A0] =	vst v1  }
0x6f: {  	[tilespmem:$0xB0B0] =	vst v1  }
0x70: {  	[tilespmem:$0xB0C0] =	vst v1  }
0x71: {  	[tilespmem:$0xB0D0] =	vst v1  }
0x72: {  	[tilespmem:$0xB0E0] =	vst v1  }
0x73: {  	[tilespmem:$0xB0F0] =	vst v1  }
0x74: {  	[tilespmem:$0xB100] =	vst v1  }
0x75: {  	[tilespmem:$0xB110] =	vst v1  }
0x76: {  	[tilespmem:$0xB120] =	vst v1  }
0x77: {  	[tilespmem:$0xB130] =	vst v1  }
0x78: {  	[tilespmem:$0xB140] =	vst v1  }
0x79: {  	[tilespmem:$0xB150] =	vst v1  }
0x7a: {  	[tilespmem:$0xB160] =	vst v1  }
0x7b: {  	[tilespmem:$0xB170] =	vst v1  }
0x7c: {  	[tilespmem:$0xB180] =	vst v1  }
0x7d: {  	[tilespmem:$0xB190] =	vst v1  }
0x7e: {  	[tilespmem:$0xB1A0] =	vst v1  }
0x7f: {  	[tilespmem:$0xB1B0] =	vst v1  }
0x80: {  	[tilespmem:$0xB1C0] =	vst v1  }
0x81: {  	s23 =	simm.s32 $0x0;
	[tilespmem:$0xB1D0] =	vst v1  }
0x82: {  	[tilespmem:$0xB1E0] =	vst v1;
	[smem:s23] =	sst s1  }
0x83: {  	[tilespmem:$0xB1F0] =	vst v1;
	[smem:$0x1] =	sst s1  }
0x84: {  	[smem:$0x2] =	sst s1  }
0x85: {  	[smem:$0x3] =	sst s1  }
0x86: {  	[smem:$0x4] =	sst s1  }
0x87: {  	[smem:$0x5] =	sst s1  }
0x88: {  	s24 =	simm.s32 $0x20;
	s25 =	simm.s32 $0x40;
	[smem:$0x6] =	sst s1  }
.LBB2_3:
0x89: {  	[smem:s23+$0x7] =	sst s1  }
0x8a: {  	s23 =	sshra.s32 s24, $0x2;
	s24 =	smov.u32 s25;
	s26 =	sadd.s32 $0x20, s25  }
0x8b: {  	p2 =	seq.s32 s25, $0xFE0;
	[smem:s23] =	sst s1  }
0x8c: {  	[smem:s23+$0x1] =	sst s1  }
.Ltmp3:
0x8d: {  	[smem:s23+$0x2] =	sst s1;
	(pc) =	sbr.rel @!p2 .LBB2_3-.Ltmp3, $4  }
0x8e: {  	[smem:s23+$0x3] =	sst s1  }
0x8f: {  	[smem:s23+$0x4] =	sst s1  }
0x90: {  	[smem:s23+$0x5] =	sst s1  }
0x91: {  	s25 =	smov.u32 s26;
	[smem:s23+$0x6] =	sst s1  }
0x92: {  	(v2sf) =	vpush v4, $0x0;
	_ =	sdelay $0x6  }
0x93: {  	s24 =	sshra.s32 s24, $0x2;
	[smem:s23+$0x7] =	sst s1  }
0x94: {  	[smem:s24] =	sst s1  }
0x95: {  	[smem:s24+$0x1] =	sst s1  }
0x96: {  	[smem:s24+$0x2] =	sst s1  }
.Ltmp4:
0x97: {  	[smem:s24+$0x3] =	sst s1;
	(pc) =	sbr.rel .LBB2_5-.Ltmp4, $4  }
0x98: {  	[smem:s24+$0x4] =	sst s1  }
0x99: {  	[smem:s24+$0x5] =	sst s1  }
0x9a: {  	[smem:s24+$0x6] =	sst s1  }
0x9b: {  	v4 =	vbroadcast v4, $0x0;
	[smem:s24+$0x7] =	sst s1;
	s24 =	simm.s32 $0x0;
	s23 =	spop (v2sf)  }
.LBB2_17:
0x9c: {  	s24 =	sadd.s32 $0x1, s24  }
0x9d: {  	p2 =	sne.s32 s24, $0x139  }
.Ltmp5:
0x9e: {  	_ = 	snop;
	(pc) =	sbr.rel @!p2 .LBB2_18-.Ltmp5, $1  }
0x9f: {  	_ =	sdelay $0x3  }
.LBB2_5:
0xa0: {  	s25 =	sshll.u32 s24, $0x4  }
0xa1: {  	v5 =	vmov s25  }
0xa2: {  	v6 =	vshll.u32 v5, $0x2  }
0xa3: {  	v6 =	vor.u32 v2, v6;
	_ =	sdelay $0x4  }
0xa4: {  	v6 =	vld.idx.msk [tilespmem:v6+s1+$0x0], $0xffff;
	_ =	sdelay $0x4  }
0xa5: {  	vm0 =	vge.f32 v6, v4  }
0xa6: {  	v6 =	vmpcnt.ones.xlane vm0;
	_ =	sdelay $0x1  }
0xa7: {  	(v2sf) =	vpush v6, $0x0;
	_ =	sdelay $0xe  }
0xa8: {  	s25 =	spop (v2sf)  }
0xa9: {  	p2 =	slt.s32 s25, $0x1  }
.Ltmp6:
0xaa: {  	_ = 	snop;
	(pc) =	sbr.rel @!p2 .LBB2_6-.Ltmp6, $4  }
.Ltmp7:
0xab: {  	_ = 	snop;
	(pc) =	sbr.rel @p2 .LBB2_17-.Ltmp7, $4  }
0xac: {  	_ = 	snop  }
0xad: {  	_ = 	snop  }
0xae: {  	_ = 	snop  }
0xaf: {  	_ = 	snop  }
.LBB2_7:
0xb0: {  	[smem:s26] =	sst s17  }
.LBB2_15:
0xb1: {  	v7 =	vbroadcast v9, $0x0;
	_ =	sdelay $0x5  }
0xb2: {  	[tilespmem:v7+s19+$0x0] =	vst.idx.msk $0x1, v3  }
.LBB2_16:
0xb3: {  	p2 =	sgt.s32 s25, $0x1  }
.Ltmp8:
0xb4: {  	_ = 	snop;
	(pc) =	sbr.rel @!p2 .LBB2_17-.Ltmp8, $3  }
0xb5: {  	_ =	sdelay $0x1  }
0xb6: {  	vm1 =	vne.s32 v6, v0;
	s26 =	sadd.s32 $0xFFFFFFFF, s25  }
0xb7: {  	vm0 =	vmand vm0, vm1;
	s25 =	smov.u32 s26  }
.LBB2_6:
0xb8: {  	v6 =	vmctz.xlane vm0;
	_ =	sdelay $0x1  }
0xb9: {  	v7 =	vadd.s32 v5, v6  }
0xba: {  	v8 =	vshll.u32 v7, $0x2  }
0xbb: {  	v7 =	vor.u32 $0x2, v8;
	_ =	sdelay $0x4  }
0xbc: {  	v9 =	vld.idx.msk [tilespmem:v7+s1+$0x0], $0xffff;
	_ =	sdelay $0x4  }
0xbd: {  	(v2sf) =	vpush v9, $0x0;
	_ =	sdelay $0xe  }
0xbe: {  	s26 =	spop (v2sf)  }
0xbf: {  	s28 =	sld [smem:s26+$0x0];
	_ =	sdelay $0x2  }
0xc0: {  	p2 =	sne.s32 s28, $0x0  }
.Ltmp9:
0xc1: {  	_ = 	snop;
	(pc) =	sbr.rel @!p2 .LBB2_7-.Ltmp9, $1  }
0xc2: {  	_ =	sdelay $0x3  }
0xc3: {  	v10 =	vor.u32 $0x1, v8;
	_ =	sdelay $0x4  }
0xc4: {  	v9 =	vld.idx.msk [tilespmem:v10+s1+$0x0], $0xffff;
	_ =	sdelay $0x4  }
0xc5: {  	(v2sf) =	vpush v9, $0x0;
	_ =	sdelay $0xe  }
0xc6: {  	s26 =	spop (v2sf)  }
0xc7: {  	p2 =	sge.f32 s26, s23  }
.Ltmp10:
0xc8: {  	_ = 	snop;
	(pc) =	sbr.rel @!p2 .LBB2_16-.Ltmp10, $1  }
0xc9: {  	_ =	sdelay $0x3  }
0xca: {  	v11 =	vor.u32 $0x3, v8;
	_ =	sdelay $0x4  }
0xcb: {  	v9 =	vld.idx.msk [tilespmem:v11+s1+$0x0], $0xffff;
	_ =	sdelay $0x4  }
0xcc: {  	(v2sf) =	vpush v9, $0x0;
	_ =	sdelay $0xe  }
0xcd: {  	s26 =	spop (v2sf)  }
0xce: {  	s28 =	sld [smem:s26+$0x0];
	_ =	sdelay $0x2  }
0xcf: {  	p2 =	sne.s32 s28, $0x0  }
.Ltmp11:
0xd0: {  	_ = 	snop;
	(pc) =	sbr.rel @!p2 .LBB2_10-.Ltmp11, $1  }
0xd1: {  	_ =	sdelay $0x3  }
0xd2: {  	_ =	sdelay $0x3  }
0xd3: {  	v9 =	vld.idx.msk [tilespmem:v8+s14+$0x0], $0xffff  }
0xd4: {  	v10 =	vld.idx.msk [tilespmem:v10+s14+$0x0], $0xffff  }
0xd5: {  	v12 =	vld.idx.msk [tilespmem:v7+s14+$0x0], $0xffff  }
0xd6: {  	v11 =	vld.idx.msk [tilespmem:v11+s14+$0x0], $0xffff;
	_ =	sdelay $0x1  }
0xd7: {  	(v2sf) =	vpush v9, $0x0  }
0xd8: {  	(v2sf) =	vpush v10, $0x0  }
0xd9: {  	(v2sf) =	vpush v12, $0x0  }
0xda: {  	(v2sf) =	vpush v11, $0x0  }
0xdb: {  	s26 =	simm.s32 $0x0  }
0xdc: {  	v7 =	vor.u32 s26, v0  }
0xdd: {  	v8 =	vshll.u32 v7, $0x2  }
0xde: {  	v13 =	vor.u32 $0x1, v8  }
0xdf: {  	v14 =	vor.u32 $0x2, v8  }
0xe0: {  	v15 =	vor.u32 $0x3, v8;
	_ =	sdelay $0x1  }
0xe1: {  	v17 =	vld.idx.msk [tilespmem:v8+s15+$0x0], $0xffff  }
0xe2: {  	v18 =	vld.idx.msk [tilespmem:v13+s15+$0x0], $0xffff  }
0xe3: {  	s30 =	simm.s32 $0x10;
	v19 =	vld.idx.msk [tilespmem:v14+s15+$0x0], $0xffff  }
0xe4: {  	v8 =	vor.u32 s30, v0;
	v21 =	vld.idx.msk [tilespmem:v15+s15+$0x0], $0xffff  }
0xe5: {  	v20 =	vshll.u32 v8, $0x2;
	s31 =	spop (v2sf)  }
0xe6: {  	v16 =	vbroadcast v11, $0x0;
	v14 =	vbroadcast v9, $0x0;
	v23 =	vor.u32 $0x2, v20;
	s28 =	spop (v2sf)  }
0xe7: {  	v13 =	vbroadcast v10, $0x0;
	v15 =	vbroadcast v12, $0x0;
	v10 =	vor.u32 $0x3, v20;
	s29 =	spop (v2sf)  }
0xe8: {  	v22 =	vor.u32 $0x1, v20;
	v9 =	vmax.f32 v14, v17;
	v11 =	vsub.f32 v19, v17;
	s30 =	spop (v2sf);
	s26 =	ssub.f32 s29, s31  }
0xe9: {  	v12 =	vsub.f32 v21, v18;
	v17 =	vmax.f32 v13, v18;
	v18 =	vmin.f32 v15, v19;
	s28 =	ssub.f32 s30, s28  }
0xea: {  	v20 =	vld.idx.msk [tilespmem:v20+s15+$0x0], $0xffff;
	v19 =	vmin.f32 v16, v21;
	v18 =	vsub.f32 v18, v9  }
0xeb: {  	v21 =	vld.idx.msk [tilespmem:v23+s15+$0x0], $0xffff;
	v19 =	vsub.f32 v19, v17;
	s26 =	smul.f32 s28, s26  }
0xec: {  	v23 =	vld.idx.msk [tilespmem:v10+s15+$0x0], $0xffff;
	v10 =	vmul.f32 v12, v11;
	v12 =	vmax.f32 v18, $0.0e+00;
	s28 =	simm.s32 $0x20  }
0xed: {  	v22 =	vld.idx.msk [tilespmem:v22+s15+$0x0], $0xffff;
	v18 =	vmax.f32 v19, $0.0e+00;
	v9 =	vor.u32 s28, v0;
	v17 =	vmov s26  }
0xee: {  	v18 =	vmul.f32 v18, v12;
	v11 =	vshll.u32 v9, $0x2;
	v24 =	vadd.f32 v10, v17  }
0xef: {  	v19 =	vor.u32 $0x1, v11  }
0xf0: {  	v26 =	vor.u32 $0x2, v11;
	v24 =	vsub.f32 v24, v18  }
0xf1: {  	v25 =	vmax.f32 v14, v20;
	v27 =	vor.u32 $0x3, v11  }
0xf2: {  	v28 =	vsub.f32 v21, v20;
	v29 =	vsub.f32 v23, v22;
	(erf) = vrcp.f32 v24  }
0xf3: {  	v30 =	vmax.f32 v13, v22;
	v21 =	vmin.f32 v15, v21;
	v23 =	vmin.f32 v16, v23;
	v20 =	vld.idx.msk [tilespmem:v11+s15+$0x0], $0xffff  }
0xf4: {  	s31 =	simm.s32 $0x30;
	v22 =	vld.idx.msk [tilespmem:v19+s15+$0x0], $0xffff;
	v19 =	vsub.f32 v21, v25;
	v21 =	vsub.f32 v23, v30  }
0xf5: {  	v28 =	vmul.f32 v29, v28;
	v11 =	vor.u32 s31, v0;
	v23 =	vld.idx.msk [tilespmem:v26+s15+$0x0], $0xffff  }
0xf6: {  	v25 =	vshll.u32 v11, $0x2;
	v24 =	vld.idx.msk [tilespmem:v27+s15+$0x0], $0xffff;
	v19 =	vmax.f32 v19, $0.0e+00;
	v21 =	vmax.f32 v21, $0.0e+00  }
0xf7: {  	s26 =	simm.s32 $0xAE00;
	v28 =	vadd.f32 v28, v17;
	v26 =	vor.u32 $0x1, v25;
	v19 =	vmul.f32 v21, v19  }
0xf8: {  	v12 =	vimm.f32 $-2.000000000e+00;
	s28 =	simm.s32 $0x40;
	v10 =	vimm.s32 $0x0;
	v27 =	vor.u32 $0x2, v25;
	v21 =	vld [tilespmem:s26+$0x0]  }
.LBB2_12:
0xf9: {  	p2 =	sne.s32 s28, $0x3F0;
	v29 =	vor.u32 $0x3, v25;
	v35 =	vsub.f32 v28, v19;
	v30 =	vmovc v11;
	v11 =	vor.u32 s28, v0  }
0xfa: {  	v32 =	vsub.f32 v23, v20;
	v33 =	vmax.f32 v14, v20;
	v31 =	vshll.u32 v11, $0x2  }
0xfb: {  	v36 =	vmax.f32 v13, v22;
	v34 =	vsub.f32 v24, v22;
	v20 =	vld.idx.msk [tilespmem:v25+s15+$0x0], $0xffff;
	(erf) = vrcp.f32 v35;
	v28 =	vpop (erf)  }
0xfc: {  	v24 =	vmin.f32 v16, v24;
	v22 =	vld.idx.msk [tilespmem:v26+s15+$0x0], $0xffff;
	v26 =	vmin.f32 v15, v23;
	v35 =	vmul.f32 v28, v18  }
.Ltmp12:
0xfd: {  	v25 =	vmovc v31;
	v28 =	vsub.f32 v24, v36;
	v23 =	vld.idx.msk [tilespmem:v27+s15+$0x0], $0xffff;
	v27 =	vsub.f32 v26, v33;
	vm1 =	vgt.f32 v21, $0.0e+00;
	(pc) =	sbr.rel @p2 .LBB2_12-.Ltmp12, $4  }
0xfe: {  	v18 =	vmovc v19;
	v26 =	vor.u32 $0x1, v25;
	v21 =	vmul.f32 v34, v32;
	v24 =	vld.idx.msk [tilespmem:v29+s15+$0x0], $0xffff;
	v29 =	vsel vm1, $0xBF800000, v35  }
0xff: {  	v19 =	vmax.f32 v27, $0.0e+00;
	v27 =	vmax.f32 v28, $0.0e+00;
	vm1 =	vgt.f32 v29, v12  }
0x100: {  	s26 =	sadd.s32 $0x10, s26;
	v28 =	vadd.f32 v21, v17;
	v19 =	vmul.f32 v27, v19;
	v12 =	vsel vm1, v29, v12  }
0x101: {  	s28 =	sadd.s32 $0x10, s28;
	v27 =	vor.u32 $0x2, v25;
	v10 =	vsel vm1, v7, v10;
	v7 =	vmovc v8;
	v8 =	vmovc v9;
	v9 =	vmov v30;
	v21 =	vld [tilespmem:s26+$0x0]  }
0x102: {  	_ =	sdelay $0x1  }
0x103: {  	v29 =	vor.u32 $0x3, v25;
	_ =	sdelay $0x1  }
0x104: {  	v39 =	vld.idx.msk [tilespmem:v25+s15+$0x0], $0xffff  }
0x105: {  	v26 =	vld.idx.msk [tilespmem:v26+s15+$0x0], $0xffff  }
0x106: {  	v27 =	vld.idx.msk [tilespmem:v27+s15+$0x0], $0xffff  }
0x107: {  	v30 =	vsub.f32 v23, v20;
	v40 =	vmax.f32 v14, v20;
	v41 =	vmin.f32 v15, v23;
	v29 =	vld.idx.msk [tilespmem:v29+s15+$0x0], $0xffff  }
0x108: {  	v31 =	vsub.f32 v24, v22;
	v20 =	vsub.f32 v41, v40  }
0x109: {  	v42 =	vsub.f32 v28, v19;
	v43 =	vmax.f32 v13, v22;
	v44 =	vmin.f32 v16, v24  }
0x10a: {  	v22 =	vsub.f32 v44, v43;
	v45 =	vmul.f32 v31, v30;
	v20 =	vmax.f32 v20, $0.0e+00  }
0x10b: {  	v46 =	vsub.f32 v27, v39;
	v47 =	vmax.f32 v14, v39;
	v49 =	vmax.f32 v13, v26  }
0x10c: {  	v50 =	vmin.f32 v15, v27;
	v48 =	vsub.f32 v29, v26;
	v51 =	vmin.f32 v16, v29  }
0x10d: {  	v22 =	vmax.f32 v22, $0.0e+00;
	v14 =	vsub.f32 v50, v47;
	v13 =	vsub.f32 v51, v49  }
0x10e: {  	v52 =	vmul.f32 v22, v20;
	v53 =	vadd.f32 v45, v17;
	v54 =	vmul.f32 v48, v46  }
0x10f: {  	(erf) = vrcp.f32 v42;
	v14 =	vmax.f32 v14, $0.0e+00;
	v13 =	vmax.f32 v13, $0.0e+00  }
0x110: {  	v16 =	vsub.f32 v53, v52;
	v13 =	vmul.f32 v13, v14;
	v55 =	vadd.f32 v54, v17;
	_ =	sdelay $0x1  }
0x111: {  	(erf) = vrcp.f32 v16;
	v14 =	vsub.f32 v55, v13;
	_ =	sdelay $0x1  }
0x112: {  	(erf) = vrcp.f32 v14  }
0x113: {  	s26 =	sadd.s32 $0x10, s26  }
0x114: {  	v56 =	vld [tilespmem:s26+$0x0]  }
0x115: {  	s26 =	sadd.s32 $0x10, s26;
	v57 =	vpop (erf)  }
0x116: {  	v58 =	vld [tilespmem:s26+$0x0];
	v16 =	vmul.f32 v57, v18  }
0x117: {  	s26 =	sadd.s32 $0x10, s26;
	vm1 =	vgt.f32 v21, $0.0e+00;
	v59 =	vpop (erf)  }
0x118: {  	v60 =	vld [tilespmem:s26+$0x0];
	v18 =	vmul.f32 v59, v19;
	v16 =	vsel vm1, $0xBF800000, v16  }
0x119: {  	vm2 =	vgt.f32 v56, $0.0e+00;
	vm1 =	vgt.f32 v16, v12;
	v61 =	vpop (erf)  }
0x11a: {  	v62 =	vsel vm2, $0xBF800000, v18;
	v12 =	vsel vm1, v16, v12;
	v14 =	vmul.f32 v61, v52  }
0x11b: {  	vm3 =	vgt.f32 v58, $0.0e+00;
	vm2 =	vgt.f32 v62, v12;
	v63 =	vpop (erf)  }
0x11c: {  	v12 =	vsel vm2, v62, v12;
	v14 =	vsel vm3, $0xBF800000, v14;
	v13 =	vmul.f32 v63, v13  }
0x11d: {  	v7 =	vsel vm1, v7, v10;
	vm3 =	vgt.f32 v60, $0.0e+00;
	vm1 =	vgt.f32 v14, v12  }
0x11e: {  	v7 =	vsel vm2, v8, v7;
	v10 =	vsel vm1, v14, v12;
	v8 =	vsel vm3, $0xBF800000, v13  }
0x11f: {  	v9 =	vsel vm1, v9, v7;
	vm1 =	vgt.f32 v8, v10  }
0x120: {  	v7 =	vsel vm1, v8, v10;
	v8 =	vsel vm1, v11, v9  }
0x121: {  	(xrf1) =	vsort.dscd.msk.f32 $0xffff, v7, v8;
	_ =	sdelay $0xd  }
0x122: {  	v9, _, _ =	vpop (xrf1)  }
0x123: {  	(v2sf) =	vpush v9, $0x0;
	_ =	sdelay $0xe  }
0x124: {  	s31 =	spop (v2sf)  }
0x125: {  	p2 =	sge.f32 s31, s23  }
.Ltmp13:
0x126: {  	_ = 	snop;
	(pc) =	sbr.rel @!p2 .LBB2_16-.Ltmp13, $1  }
0x127: {  	_ =	sdelay $0x3  }
0x128: {  	v9 =	vbroadcast v9, $0x0;
	_ =	sdelay $0x1  }
0x129: {  	vm1 =	veq.f32 v7, v9  }
0x12a: {  	v7 =	vnsel vm1, $0x800, v8  }
0x12b: {  	v8 =	vxor.u32 $0x80000000, v7  }
0x12c: {  	(xrf1) =	vsort.ascd.msk.u32 $0xffff, v8, v7;
	_ =	sdelay $0xd  }
0x12d: {  	v7, _, _ =	vpop (xrf1)  }
0x12e: {  	(v2sf) =	vpush v7, $0x0;
	_ =	sdelay $0xc  }
.Ltmp14:
0x12f: {  	_ = 	snop;
	(pc) =	sbr.rel .LBB2_15-.Ltmp14, $4  }
0x130: {  	_ = 	snop  }
0x131: {  	s26 =	spop (v2sf)  }
0x132: {  	s26 =	sxor.u32 $0x80000000, s26  }
0x133: {  	[smem:s26] =	sst s17;
	v9 =	vmov s26  }
.LBB2_10:
.Ltmp15:
0x134: {  	(pc) =	sbr.rel .LBB2_15-.Ltmp15, $2  }
0x135: {  	_ =	sdelay $0x2  }
0x136: {  	[smem:s26] =	sst s17  }
.LBB2_18:
0x137: {  	s23 =	simm.s32 $0x0  }
0x138: {  	v4 =	vld [tilespmem:s23+$0xAE00]  }
0x139: {  	s30 =	simm.s32 $0x10  }
0x13a: {  	s31 =	simm.s32 $0x20;
	v5 =	vld [tilespmem:s30+$0xAE00]  }
0x13b: {  	v6 =	vld [tilespmem:s31+$0xAE00];
	_ =	sdelay $0x1  }
0x13c: {  	vm0 =	vgt.f32 v4, $0.0e+00  }
0x13d: {  	v4 =	vmpcnt.ones.xlane vm0  }
0x13e: {  	vm14 =	vgt.f32 v5, $0.0e+00  }
0x13f: {  	vm15 =	vgt.f32 v6, $0.0e+00;
	v5 =	vmpcnt.ones.xlane vm14;
	(v2sf) =	vpush v4, $0x0  }
0x140: {  	v6 =	vmpcnt.ones.xlane vm15  }
0x141: {  	(v2sf) =	vpush v5, $0x0  }
0x142: {  	(v2sf) =	vpush v6, $0x0;
	_ =	sdelay $0x5  }
0x143: {  	s25 =	simm.s32 $0x30  }
0x144: {  	v4 =	vld [tilespmem:s25+$0xAE00];
	_ =	sdelay $0x1  }
0x145: {  	s24 =	simm.s32 $0x100;
	s23 =	simm.s32 $0x0  }
.LBB2_19:
0x146: {  	p2 =	sne.s32 s24, $0xFC0  }
.Ltmp16:
0x147: {  	s25 =	sshra.s32 s24, $0x2;
	(pc) =	sbr.rel @p2 .LBB2_19-.Ltmp16, $3  }
0x148: {  	s24 =	sadd.s32 $0x40, s24;
	s26 =	spop (v2sf);
	vm0 =	vgt.f32 v4, $0.0e+00  }
0x149: {  	s23 =	sadd.s32 s23, s26;
	v4 =	vld [tilespmem:s25+$0xAE00];
	v5 =	vmpcnt.ones.xlane vm0;
	_ =	sdelay $0x1  }
0x14a: {  	(v2sf) =	vpush v5, $0x0  }
0x14b: {  	_ =	sdelay $0x1  }
0x14c: {  	vm0 =	vgt.f32 v4, $0.0e+00  }
0x14d: {  	v4 =	vmpcnt.ones.xlane vm0;
	_ =	sdelay $0x1  }
0x14e: {  	(v2sf) =	vpush v4, $0x0;
	_ =	sdelay $0xb  }
0x14f: {  	s24 =	spop (v2sf)  }
0x150: {  	s23 =	sadd.s32 s23, s24;
	s29 =	spop (v2sf)  }
0x151: {  	s23 =	sadd.s32 s23, s29;
	s30 =	spop (v2sf)  }
0x152: {  	s23 =	sadd.s32 s23, s30;
	s31 =	spop (v2sf)  }
0x153: {  	s23 =	sadd.s32 s23, s31  }
0x154: {  	s23 =	scvt.s32.f32 s23;
	_ =	sdelay $0x1  }
0x155: {  	v4 =	vmov s23  }
0x156: {  	v4 =	vsub.f32 $6.000000000e+03, v4;
	_ =	sdelay $0x1  }
0x157: {  	(erf) = vrcp.f32 v4;
	_ =	sdelay $0x8  }
0x158: {  	v4 =	vpop (erf)  }
0x159: {  	v4 =	vmul.f32 s23, v4;
	_ =	sdelay $0x1  }
.Ltmp17:
0x15a: {  	[tilespmem:$0xB200] =	vst v4;
	(pc) =	sbr.rel .LBB2_21-.Ltmp17, $4  }
0x15b: {  	[hbm4b:s8+s1] =	stream.linear.scatter [tilespmem:s20], [sflag:$0x2], $0x80, $0x38;
	[tilespmem:$0xB300] =	vst v63  }
0x15c: {  	_ =	swait.ge [sflag:s21], $0x80  }
0x15d: {  	[sflag:s21] =	ssyncset.done $0x0  }
0x15e: {  	[sflag:s21] =	ssyncadd.s32 $0xFFFFFF80  }
.LBB2_22:
0x15f: {  	_ =	sfence.sel $0x180000  }
0x160: {  	[bflag:$0x0] =	sbarrier.arrive $0xFFFF  }
0x161: {  	p0 =	sne.s32 s3, $0x0;
	_ =	strace $0x90000047  }
0x162: {  	s0 =	sadd.s32 @!p0 $0x100000, s0;
	[bflag:$0x2] =	sbarrier.arrive $0xFFFF  }
0x163: {  	[sflag:s0] =	ssyncadd.tile.s32 @!p0 $0x1;
	_ =	shalt  }
.Lfunc_end2:
_tile_overlayer_lowered:
.L_overlay_start_2:
0x164: {  	(tag) =	ssettag $0x2  }
0x165: {  	s0 =	rddreg [dreg:$0x0];
	s2 =	stileid.u32  }
0x166: {  	s1 =	rddreg [dreg:$0x1];
	p0 =	sne.s32 s2, $0x0  }
0x167: {  	s3 =	rddreg [dreg:$0x2];
	[bflag:$0x3] =	sbarrier.arrive $0xFFFF;
	s2 =	simm.s32 @!p0 $0x1C02  }
0x168: {  	[timem:s3], [sflag:s2] =	dma.local @!p0 [hbm:s0], s1  }
0x169: {  	s0 =	simm.s32 @!p0 $0x2  }
0x16a: {  	_ =	swait.ge @!p0 [sflag:s0], s1  }
0x16b: {  	s1 =	ssub.s32 @!p0 $0x0, s1;
	[sflag:s0] =	ssyncset.done @!p0 $0x0  }
0x16c: {  	[sflag:s0] =	ssyncadd.s32 @!p0 s1  }
0x16d: {  	[bflag:$0x3] =	sbarrier.arrive $0xFFFF  }
0x16e: {  	_ =	shalt  }

</sc_bundles>
